<compile_context>
chip_gen: v7x
topology: tpu7x:2x2x1
jax: 0.10.2.dev20260603
libtpu: 0.0.44.dev20260713+nightly
codegen_flags: <defaults>
</compile_context>

<pallas_src>
import jax
import jax.numpy as jnp
from jax import lax
from jax.experimental import pallas as pl
from jax.experimental.pallas import tpu as pltpu
from jax.experimental.pallas import tpu_sc as plsc

N_NODES = 10000
N_EDGES = 320000
D_IN = 128
D_OUT = 2
N_SEL = 9
BN_EPS = 1e-5

NC = 2
NS = 16
LANES = 16
NW = NC * NS
E_PER_W = N_EDGES // NW
CHUNK = 2000
N_CHUNK = E_PER_W // CHUNK
UNROLL = 4
N_PAD = 10240
NROW = N_PAD // 128
TAB_LEN = N_SEL * N_PAD
NB = 5120
GRID1 = N_PAD // NB


def _pack_kernel(x_ref, w_ref, o_ref):
    dn = (((1,), (1,)), ((), ()))
    a = lax.dot_general(w_ref[...], x_ref[...], dn,
                        preferred_element_type=jnp.float32)
    u0 = lax.bitcast_convert_type(a[:N_SEL].astype(jnp.bfloat16),
                                  jnp.uint16).astype(jnp.uint32)
    u1 = lax.bitcast_convert_type(a[N_SEL:].astype(jnp.bfloat16),
                                  jnp.uint16).astype(jnp.uint32)
    packed = lax.bitcast_convert_type((u1 << 16) | u0, jnp.int32)
    o_ref[...] = packed.reshape(N_SEL, NB // 128, 128)


def _build_table(x, W):
    w01 = W.transpose(1, 0, 2).reshape(D_OUT * N_SEL, D_IN)
    return pl.pallas_call(
        _pack_kernel,
        grid=(GRID1,),
        in_specs=[
            pl.BlockSpec((NB, D_IN), lambda i: (i, 0)),
            pl.BlockSpec((D_OUT * N_SEL, D_IN), lambda i: (0, 0)),
        ],
        out_specs=pl.BlockSpec((N_SEL, NB // 128, 128), lambda i: (0, i, 0)),
        out_shape=jax.ShapeDtypeStruct((N_SEL, NROW, 128), jnp.int32),
    )(x, w01)


def _edge_kernel(table_hbm, ei_hbm, sel_hbm, part_hbm,
                 table_v, acc0, acc1,
                 src_a, dst_a, sel_a, src_c, dst_c, sel_c,
                 sem_a, sem_c, sem_out):
    wid = lax.axis_index("s") * NC + lax.axis_index("c")
    bufs = ((src_a, dst_a, sel_a), (src_c, dst_c, sel_c))
    sems = (sem_a, sem_c)

    def issue(c, k):
        base = wid * E_PER_W + c * CHUNK
        return (
            pltpu.async_copy(ei_hbm.at[0, pl.ds(base, CHUNK)], bufs[k][0], sems[k]),
            pltpu.async_copy(ei_hbm.at[1, pl.ds(base, CHUNK)], bufs[k][1], sems[k]),
            pltpu.async_copy(sel_hbm.at[pl.ds(base, CHUNK)], bufs[k][2], sems[k]),
        )

    pend = issue(0, 0)
    tab_h = pltpu.async_copy(table_hbm, table_v, sem_out)

    zeros = jnp.zeros((LANES,), jnp.float32)

    @plsc.parallel_loop(0, N_PAD // LANES, step=1, unroll=4)
    def zero_body(i):
        acc0[pl.ds(i * LANES, LANES)] = zeros
        acc1[pl.ds(i * LANES, LANES)] = zeros

    tab_h.wait()

    for c in range(N_CHUNK):
        k = c & 1
        for h in pend:
            h.wait()
        if c + 1 < N_CHUNK:
            pend = issue(c + 1, 1 - k)
        src_b, dst_b, sel_b = bufs[k]

        @plsc.parallel_loop(0, CHUNK // LANES, step=1, unroll=UNROLL)
        def body(i):
            o = i * LANES
            s = src_b[pl.ds(o, LANES)]
            d = dst_b[pl.ds(o, LANES)]
            q = sel_b[pl.ds(o, LANES)]
            g = q * N_PAD + s
            w = plsc.load_gather(table_v, [g])
            c0 = plsc.bitcast(w << 16, jnp.float32)
            c1 = plsc.bitcast(w & jnp.int32(-65536), jnp.float32)
            plsc.addupdate_scatter(acc0, [d], c0)
            plsc.addupdate_scatter(acc1, [d], c1)

    o1 = pltpu.async_copy(acc0, part_hbm.at[wid, 0], sem_out)
    o2 = pltpu.async_copy(acc1, part_hbm.at[wid, 1], sem_out)
    o1.wait()
    o2.wait()


def _scatter_edges(table_flat, edge_index, selections):
    mesh = plsc.VectorSubcoreMesh(
        core_axis_name="c", subcore_axis_name="s", num_cores=NC, num_subcores=NS
    )
    return pl.kernel(
        _edge_kernel,
        out_type=jax.ShapeDtypeStruct((NW, D_OUT, N_PAD), jnp.float32),
        mesh=mesh,
        compiler_params=pltpu.CompilerParams(
            use_tc_tiling_on_sc=False, needs_layout_passes=False
        ),
        scratch_types=[
            pltpu.VMEM((TAB_LEN,), jnp.int32),
            pltpu.VMEM((N_PAD,), jnp.float32),
            pltpu.VMEM((N_PAD,), jnp.float32),
            pltpu.VMEM((CHUNK,), jnp.int32),
            pltpu.VMEM((CHUNK,), jnp.int32),
            pltpu.VMEM((CHUNK,), jnp.int32),
            pltpu.VMEM((CHUNK,), jnp.int32),
            pltpu.VMEM((CHUNK,), jnp.int32),
            pltpu.VMEM((CHUNK,), jnp.int32),
            pltpu.SemaphoreType.DMA,
            pltpu.SemaphoreType.DMA,
            pltpu.SemaphoreType.DMA,
        ],
    )(table_flat, edge_index, selections)


def _bn_kernel(p_ref, b_ref, g_ref, be_ref, o_ref):
    p = p_ref[...].reshape(NW, D_OUT, NROW, 128)
    ob = jnp.sum(p, axis=0) + b_ref[...].reshape(D_OUT, 1, 1)
    ir = lax.broadcasted_iota(jnp.int32, (D_OUT, NROW, 128), 1)
    ic = lax.broadcasted_iota(jnp.int32, (D_OUT, NROW, 128), 2)
    msk = ir * 128 + ic < N_NODES
    inv_n = 1.0 / N_NODES
    mean = jnp.sum(jnp.where(msk, ob, 0.0), axis=(1, 2), keepdims=True) * inv_n
    ctr = jnp.where(msk, ob - mean, 0.0)
    var = jnp.sum(ctr * ctr, axis=(1, 2), keepdims=True) * inv_n
    xn = (ob - mean) * lax.rsqrt(var + BN_EPS)
    y = g_ref[...].reshape(D_OUT, 1, 1) * xn + be_ref[...].reshape(D_OUT, 1, 1)
    o_ref[...] = 0.3 * jax.nn.sigmoid(y)


def _bn_sigmoid(parts, b, gamma, beta):
    p2 = parts.reshape(NW * D_OUT * NROW, 128)
    return pl.pallas_call(
        _bn_kernel,
        out_shape=jax.ShapeDtypeStruct((D_OUT, NROW, 128), jnp.float32),
    )(p2, b.reshape(D_OUT, 1), gamma.reshape(D_OUT, 1), beta.reshape(D_OUT, 1))


@jax.jit
def kernel(x, edge_index, selections, W, b, gamma, beta):
    table = _build_table(x, W).reshape(TAB_LEN)
    parts = _scatter_edges(table, edge_index, selections)
    out = _bn_sigmoid(parts, b, gamma, beta)
    return out.reshape(D_OUT, N_PAD)[:, :N_NODES].T

# --- scband reference (transcript-rebuilt; emitter-appended) ---
"""Pipeline reference for scband-get-disp-43516608643445 (READ-ONLY COPY).

The authoritative reference and input builder live on the scoring server;
editing this copy changes nothing except your own understanding.
"""

import jax, jax.numpy as jnp
import numpy as np

N_NODES = 10000
N_EDGES = 320000
D_IN = 128
D_OUT = 2
N_SEL = 9  # kernel_size=3 -> 3*3 selections (self + 8 directions)
BN_EPS = 1e-5


def setup_inputs(seed: int = 0) -> dict:
    key = jax.random.key(seed)
    ks = jax.random.split(key, 8)
    x = jax.random.normal(ks[0], (N_NODES, D_IN), dtype=jnp.float32)
    edge_index = jax.random.randint(ks[1], (2, N_EDGES), 0, N_NODES, dtype=jnp.int32)
    selections = jax.random.randint(ks[2], (N_EDGES,), 0, N_SEL, dtype=jnp.int32)
    # SelectionConv learned params: one [D_OUT, D_IN] weight per selection, shared bias
    W = jax.random.normal(ks[3], (N_SEL, D_OUT, D_IN), dtype=jnp.float32) * (1.0 / np.sqrt(D_IN))
    b = jnp.zeros((D_OUT,), dtype=jnp.float32)
    # BatchNorm1d(2) affine params
    gamma = jnp.ones((D_OUT,), dtype=jnp.float32)
    beta = jnp.zeros((D_OUT,), dtype=jnp.float32)
    return {"x": x, "edge_index": edge_index, "selections": selections,
            "W": W, "b": b, "gamma": gamma, "beta": beta}


def reference(x, edge_index, selections, W, b, gamma, beta):
    src = edge_index[0]
    dst = edge_index[1]
    # SelectionConv: gather source features once, apply selection-specific weight,
    # scatter-add messages into destination nodes.
    xs = jnp.take(x, src, axis=0)  # [E, D_IN] gather
    out = jnp.zeros((x.shape[0], D_OUT), dtype=x.dtype)
    for s in range(N_SEL):
        mask = (selections == s).astype(x.dtype)[:, None]  # [E, 1]
        contrib = (xs @ W[s].T) * mask  # [E, D_OUT]
        out = out.at[dst].add(contrib)  # scatter-add
    out = out + b
    # BatchNorm1d in training mode: batch statistics over node dimension
    mean = jnp.mean(out, axis=0)
    var = jnp.var(out, axis=0)
    xn = (out - mean) / jnp.sqrt(var + BN_EPS)
    y = gamma * xn + beta
    return 0.3 * jax.nn.sigmoid(y)

if __name__ == "__main__":
    import jax
    _d = setup_inputs()
    print(jax.jit(kernel)(*tuple(_d.values())))

</pallas_src>

<mosaic_0001>
#map = affine_map<(d0, d1) -> (0)>
#map1 = affine_map<(d0, d1) -> (0, 0)>
#map2 = affine_map<(d0, d1) -> (0, 0, 0)>
module attributes {stable_mosaic.version = 14 : i64} {
  func.func @_edge_kernel(%arg0: i32, %arg1: i32, %arg2: memref<92160xi32, #tpu.memory_space<hbm>>, %arg3: memref<2x320000xi32, #tpu.memory_space<hbm>>, %arg4: memref<320000xi32, #tpu.memory_space<hbm>>, %arg5: memref<32x2x10240xf32, #tpu.memory_space<hbm>>, %arg6: memref<92160xi32, #tpu.memory_space<vmem>>, %arg7: memref<10240xf32, #tpu.memory_space<vmem>>, %arg8: memref<10240xf32, #tpu.memory_space<vmem>>, %arg9: memref<2000xi32, #tpu.memory_space<vmem>>, %arg10: memref<2000xi32, #tpu.memory_space<vmem>>, %arg11: memref<2000xi32, #tpu.memory_space<vmem>>, %arg12: memref<2000xi32, #tpu.memory_space<vmem>>, %arg13: memref<2000xi32, #tpu.memory_space<vmem>>, %arg14: memref<2000xi32, #tpu.memory_space<vmem>>, %arg15: memref<!tpu.dma_semaphore, #tpu.memory_space<semaphore_mem>>, %arg16: memref<!tpu.dma_semaphore, #tpu.memory_space<semaphore_mem>>, %arg17: memref<!tpu.dma_semaphore, #tpu.memory_space<semaphore_mem>>) attributes {dimension_semantics = [#tpu.dimension_semantics<core_parallel>, #tpu.dimension_semantics<subcore_parallel>], iteration_bounds = array<i64: 2, 16>, scalar_prefetch = 0 : i64, scratch_operands = 12 : i64, tpu.core_type = #tpu.core_type<sc_vector_subcore>, window_params = [{transform_indices = #map}, {transform_indices = #map1}, {transform_indices = #map}, {transform_indices = #map2}]} {
    %mul3A = arith.constant 2 : i32
    %mul3A_0 = arith.muli %arg1, %mul3A : i32
    %add3A = arith.addi %mul3A_0, %arg0 : i32
    %mul3A_1 = arith.constant 10000 : i32
    %mul3A_2 = arith.muli %add3A, %mul3A_1 : i32
    %add3A_3 = arith.constant 0 : i32
    %add3A_4 = arith.addi %mul3A_2, %add3A_3 : i32
    %dma_start3A = arith.constant 0 : i32
    %dma_start3A_5 = tpu.memref_slice %arg3[%dma_start3A, %add3A_4] : memref<2x320000xi32, #tpu.memory_space<hbm>> -> memref<1x2000xi32, #tpu.memory_space<hbm>>
    %dma_start3A_6 = tpu.memref_squeeze %dma_start3A_5 : memref<1x2000xi32, #tpu.memory_space<hbm>> -> memref<2000xi32, #tpu.memory_space<hbm>>
    %dma_start3A_7 = tpu.memref_slice %arg3[%dma_start3A, %add3A_4] : memref<2x320000xi32, #tpu.memory_space<hbm>> -> memref<1x2000xi32, #tpu.memory_space<hbm>>
    %dma_start3A_8 = tpu.memref_squeeze %dma_start3A_7 : memref<1x2000xi32, #tpu.memory_space<hbm>> -> memref<2000xi32, #tpu.memory_space<hbm>>
    tpu.enqueue_dma source(%dma_start3A_8 : memref<2000xi32, #tpu.memory_space<hbm>>) target(%arg9 : memref<2000xi32, #tpu.memory_space<vmem>>) target_semaphore(%arg15 : memref<!tpu.dma_semaphore, #tpu.memory_space<semaphore_mem>>)
    %dma_start3A_9 = arith.constant 1 : i32
    %dma_start3A_10 = tpu.memref_slice %arg3[%dma_start3A_9, %add3A_4] : memref<2x320000xi32, #tpu.memory_space<hbm>> -> memref<1x2000xi32, #tpu.memory_space<hbm>>
    %dma_start3A_11 = tpu.memref_squeeze %dma_start3A_10 : memref<1x2000xi32, #tpu.memory_space<hbm>> -> memref<2000xi32, #tpu.memory_space<hbm>>
    %dma_start3A_12 = tpu.memref_slice %arg3[%dma_start3A_9, %add3A_4] : memref<2x320000xi32, #tpu.memory_space<hbm>> -> memref<1x2000xi32, #tpu.memory_space<hbm>>
    %dma_start3A_13 = tpu.memref_squeeze %dma_start3A_12 : memref<1x2000xi32, #tpu.memory_space<hbm>> -> memref<2000xi32, #tpu.memory_space<hbm>>
    tpu.enqueue_dma source(%dma_start3A_13 : memref<2000xi32, #tpu.memory_space<hbm>>) target(%arg10 : memref<2000xi32, #tpu.memory_space<vmem>>) target_semaphore(%arg15 : memref<!tpu.dma_semaphore, #tpu.memory_space<semaphore_mem>>)
    %dma_start3A_14 = tpu.memref_slice %arg4[%add3A_4] : memref<320000xi32, #tpu.memory_space<hbm>> -> memref<2000xi32, #tpu.memory_space<hbm>>
    %dma_start3A_15 = tpu.memref_slice %arg4[%add3A_4] : memref<320000xi32, #tpu.memory_space<hbm>> -> memref<2000xi32, #tpu.memory_space<hbm>>
    tpu.enqueue_dma source(%dma_start3A_15 : memref<2000xi32, #tpu.memory_space<hbm>>) target(%arg11 : memref<2000xi32, #tpu.memory_space<vmem>>) target_semaphore(%arg15 : memref<!tpu.dma_semaphore, #tpu.memory_space<semaphore_mem>>)
    tpu.enqueue_dma source(%arg2 : memref<92160xi32, #tpu.memory_space<hbm>>) target(%arg6 : memref<92160xi32, #tpu.memory_space<vmem>>) target_semaphore(%arg17 : memref<!tpu.dma_semaphore, #tpu.memory_space<semaphore_mem>>)
    %broadcast_in_dim3A = arith.constant 0.000000e+00 : f32
    %broadcast_in_dim3A_16 = vector.broadcast %broadcast_in_dim3A : f32 to vector<16xf32>
    %parallel_loop3A = arith.constant 0 : i32
    %parallel_loop3A_17 = arith.constant 640 : i32
    %parallel_loop3A_18 = arith.constant 1 : i32
    scf.for %parallel_loop3A_185 = %parallel_loop3A to %parallel_loop3A_17 step %parallel_loop3A_18  : i32 {
      %parallel_loop3A_186 = arith.constant 16 : i32
      %parallel_loop3A_187 = arith.muli %parallel_loop3A_185, %parallel_loop3A_186 : i32
      %parallel_loop3A_188 = arith.index_cast %parallel_loop3A_187 : i32 to index
      %parallel_loop3A_189 = tpu.vector_load %arg7[%parallel_loop3A_188] {strides = array<i32>} : memref<10240xf32, #tpu.memory_space<vmem>>, vector<16xf32>,
      tpu.vector_store %arg7[%parallel_loop3A_188], %broadcast_in_dim3A_16 {strides = array<i32>} : memref<10240xf32, #tpu.memory_space<vmem>>, vector<16xf32>,
      %parallel_loop3A_190 = arith.constant 16 : i32
      %parallel_loop3A_191 = arith.muli %parallel_loop3A_185, %parallel_loop3A_190 : i32
      %parallel_loop3A_192 = arith.index_cast %parallel_loop3A_191 : i32 to index
      %parallel_loop3A_193 = tpu.vector_load %arg8[%parallel_loop3A_192] {strides = array<i32>} : memref<10240xf32, #tpu.memory_space<vmem>>, vector<16xf32>,
      tpu.vector_store %arg8[%parallel_loop3A_192], %broadcast_in_dim3A_16 {strides = array<i32>} : memref<10240xf32, #tpu.memory_space<vmem>>, vector<16xf32>,
    } {sc.loop_unroll_factor = 4 : i64, sc.parallel_access}
    tpu.wait_dma2 semaphore(%arg17 : memref<!tpu.dma_semaphore, #tpu.memory_space<semaphore_mem>>) src(%arg2 : memref<92160xi32, #tpu.memory_space<hbm>>) dst(%arg6 : memref<92160xi32, #tpu.memory_space<vmem>>)
    %dma_wait3A = arith.constant 0 : i32
    %dma_wait3A_19 = tpu.memref_slice %arg3[%dma_wait3A, %add3A_4] : memref<2x320000xi32, #tpu.memory_space<hbm>> -> memref<1x2000xi32, #tpu.memory_space<hbm>>
    %dma_wait3A_20 = tpu.memref_squeeze %dma_wait3A_19 : memref<1x2000xi32, #tpu.memory_space<hbm>> -> memref<2000xi32, #tpu.memory_space<hbm>>
    %dma_wait3A_21 = tpu.memref_slice %arg3[%dma_wait3A, %add3A_4] : memref<2x320000xi32, #tpu.memory_space<hbm>> -> memref<1x2000xi32, #tpu.memory_space<hbm>>
    %dma_wait3A_22 = tpu.memref_squeeze %dma_wait3A_21 : memref<1x2000xi32, #tpu.memory_space<hbm>> -> memref<2000xi32, #tpu.memory_space<hbm>>
    tpu.wait_dma2 semaphore(%arg15 : memref<!tpu.dma_semaphore, #tpu.memory_space<semaphore_mem>>) src(%dma_wait3A_22 : memref<2000xi32, #tpu.memory_space<hbm>>) dst(%arg9 : memref<2000xi32, #tpu.memory_space<vmem>>)
    %dma_wait3A_23 = arith.constant 1 : i32
    %dma_wait3A_24 = tpu.memref_slice %arg3[%dma_wait3A_23, %add3A_4] : memref<2x320000xi32, #tpu.memory_space<hbm>> -> memref<1x2000xi32, #tpu.memory_space<hbm>>
    %dma_wait3A_25 = tpu.memref_squeeze %dma_wait3A_24 : memref<1x2000xi32, #tpu.memory_space<hbm>> -> memref<2000xi32, #tpu.memory_space<hbm>>
    %dma_wait3A_26 = tpu.memref_slice %arg3[%dma_wait3A_23, %add3A_4] : memref<2x320000xi32, #tpu.memory_space<hbm>> -> memref<1x2000xi32, #tpu.memory_space<hbm>>
    %dma_wait3A_27 = tpu.memref_squeeze %dma_wait3A_26 : memref<1x2000xi32, #tpu.memory_space<hbm>> -> memref<2000xi32, #tpu.memory_space<hbm>>
    tpu.wait_dma2 semaphore(%arg15 : memref<!tpu.dma_semaphore, #tpu.memory_space<semaphore_mem>>) src(%dma_wait3A_27 : memref<2000xi32, #tpu.memory_space<hbm>>) dst(%arg10 : memref<2000xi32, #tpu.memory_space<vmem>>)
    %dma_wait3A_28 = tpu.memref_slice %arg4[%add3A_4] : memref<320000xi32, #tpu.memory_space<hbm>> -> memref<2000xi32, #tpu.memory_space<hbm>>
    %dma_wait3A_29 = tpu.memref_slice %arg4[%add3A_4] : memref<320000xi32, #tpu.memory_space<hbm>> -> memref<2000xi32, #tpu.memory_space<hbm>>
    tpu.wait_dma2 semaphore(%arg15 : memref<!tpu.dma_semaphore, #tpu.memory_space<semaphore_mem>>) src(%dma_wait3A_29 : memref<2000xi32, #tpu.memory_space<hbm>>) dst(%arg11 : memref<2000xi32, #tpu.memory_space<vmem>>)
    %mul3A_30 = arith.constant 10000 : i32
    %mul3A_31 = arith.muli %add3A, %mul3A_30 : i32
    %add3A_32 = arith.constant 2000 : i32
    %add3A_33 = arith.addi %mul3A_31, %add3A_32 : i32
    %dma_start3A_34 = arith.constant 0 : i32
    %dma_start3A_35 = tpu.memref_slice %arg3[%dma_start3A_34, %add3A_33] : memref<2x320000xi32, #tpu.memory_space<hbm>> -> memref<1x2000xi32, #tpu.memory_space<hbm>>
    %dma_start3A_36 = tpu.memref_squeeze %dma_start3A_35 : memref<1x2000xi32, #tpu.memory_space<hbm>> -> memref<2000xi32, #tpu.memory_space<hbm>>
    %dma_start3A_37 = tpu.memref_slice %arg3[%dma_start3A_34, %add3A_33] : memref<2x320000xi32, #tpu.memory_space<hbm>> -> memref<1x2000xi32, #tpu.memory_space<hbm>>
    %dma_start3A_38 = tpu.memref_squeeze %dma_start3A_37 : memref<1x2000xi32, #tpu.memory_space<hbm>> -> memref<2000xi32, #tpu.memory_space<hbm>>
    tpu.enqueue_dma source(%dma_start3A_38 : memref<2000xi32, #tpu.memory_space<hbm>>) target(%arg12 : memref<2000xi32, #tpu.memory_space<vmem>>) target_semaphore(%arg16 : memref<!tpu.dma_semaphore, #tpu.memory_space<semaphore_mem>>)
    %dma_start3A_39 = arith.constant 1 : i32
    %dma_start3A_40 = tpu.memref_slice %arg3[%dma_start3A_39, %add3A_33] : memref<2x320000xi32, #tpu.memory_space<hbm>> -> memref<1x2000xi32, #tpu.memory_space<hbm>>
    %dma_start3A_41 = tpu.memref_squeeze %dma_start3A_40 : memref<1x2000xi32, #tpu.memory_space<hbm>> -> memref<2000xi32, #tpu.memory_space<hbm>>
    %dma_start3A_42 = tpu.memref_slice %arg3[%dma_start3A_39, %add3A_33] : memref<2x320000xi32, #tpu.memory_space<hbm>> -> memref<1x2000xi32, #tpu.memory_space<hbm>>
    %dma_start3A_43 = tpu.memref_squeeze %dma_start3A_42 : memref<1x2000xi32, #tpu.memory_space<hbm>> -> memref<2000xi32, #tpu.memory_space<hbm>>
    tpu.enqueue_dma source(%dma_start3A_43 : memref<2000xi32, #tpu.memory_space<hbm>>) target(%arg13 : memref<2000xi32, #tpu.memory_space<vmem>>) target_semaphore(%arg16 : memref<!tpu.dma_semaphore, #tpu.memory_space<semaphore_mem>>)
    %dma_start3A_44 = tpu.memref_slice %arg4[%add3A_33] : memref<320000xi32, #tpu.memory_space<hbm>> -> memref<2000xi32, #tpu.memory_space<hbm>>
    %dma_start3A_45 = tpu.memref_slice %arg4[%add3A_33] : memref<320000xi32, #tpu.memory_space<hbm>> -> memref<2000xi32, #tpu.memory_space<hbm>>
    tpu.enqueue_dma source(%dma_start3A_45 : memref<2000xi32, #tpu.memory_space<hbm>>) target(%arg14 : memref<2000xi32, #tpu.memory_space<vmem>>) target_semaphore(%arg16 : memref<!tpu.dma_semaphore, #tpu.memory_space<semaphore_mem>>)
    %parallel_loop3A_46 = arith.constant 0 : i32
    %parallel_loop3A_47 = arith.constant 125 : i32
    %parallel_loop3A_48 = arith.constant 1 : i32
    scf.for %parallel_loop3A_185 = %parallel_loop3A_46 to %parallel_loop3A_47 step %parallel_loop3A_48  : i32 {
      %parallel_loop3A_186 = arith.constant 16 : i32
      %parallel_loop3A_187 = arith.muli %parallel_loop3A_185, %parallel_loop3A_186 : i32
      %parallel_loop3A_188 = arith.index_cast %parallel_loop3A_187 : i32 to index
      %parallel_loop3A_189 = tpu.vector_load %arg9[%parallel_loop3A_188] {strides = array<i32>} : memref<2000xi32, #tpu.memory_space<vmem>>, vector<16xi32>,
      %parallel_loop3A_190 = arith.index_cast %parallel_loop3A_187 : i32 to index
      %parallel_loop3A_191 = tpu.vector_load %arg10[%parallel_loop3A_190] {strides = array<i32>} : memref<2000xi32, #tpu.memory_space<vmem>>, vector<16xi32>,
      %parallel_loop3A_192 = arith.index_cast %parallel_loop3A_187 : i32 to index
      %parallel_loop3A_193 = tpu.vector_load %arg11[%parallel_loop3A_192] {strides = array<i32>} : memref<2000xi32, #tpu.memory_space<vmem>>, vector<16xi32>,
      %parallel_loop3A_194 = arith.constant 10240 : i32
      %parallel_loop3A_195 = vector.broadcast %parallel_loop3A_194 : i32 to vector<16xi32>
      %parallel_loop3A_196 = arith.muli %parallel_loop3A_193, %parallel_loop3A_195 : vector<16xi32>
      %parallel_loop3A_197 = arith.addi %parallel_loop3A_196, %parallel_loop3A_189 : vector<16xi32>
      %parallel_loop3A_198 = tpu.vector_load_idx %arg6[%parallel_loop3A_197] : memref<92160xi32, #tpu.memory_space<vmem>>[vector<16xi32>], vector<16xi32>,
      %parallel_loop3A_199 = arith.constant 16 : i32
      %parallel_loop3A_200 = vector.broadcast %parallel_loop3A_199 : i32 to vector<16xi32>
      %parallel_loop3A_201 = arith.shli %parallel_loop3A_198, %parallel_loop3A_200 : vector<16xi32>
      %parallel_loop3A_202 = vector.bitcast %parallel_loop3A_201 : vector<16xi32> to vector<16xf32>
      %parallel_loop3A_203 = arith.constant -65536 : i32
      %parallel_loop3A_204 = vector.broadcast %parallel_loop3A_203 : i32 to vector<16xi32>
      %parallel_loop3A_205 = arith.andi %parallel_loop3A_198, %parallel_loop3A_204 : vector<16xi32>
      %parallel_loop3A_206 = vector.bitcast %parallel_loop3A_205 : vector<16xi32> to vector<16xf32>
      tpu.vector_store_idx %arg7[%parallel_loop3A_191], %parallel_loop3A_202 {add = true} : memref<10240xf32, #tpu.memory_space<vmem>>[vector<16xi32>], vector<16xf32>,
      tpu.vector_store_idx %arg8[%parallel_loop3A_191], %parallel_loop3A_206 {add = true} : memref<10240xf32, #tpu.memory_space<vmem>>[vector<16xi32>], vector<16xf32>,
    } {sc.loop_unroll_factor = 4 : i64, sc.parallel_access}
    %dma_wait3A_49 = arith.constant 0 : i32
    %dma_wait3A_50 = tpu.memref_slice %arg3[%dma_wait3A_49, %add3A_33] : memref<2x320000xi32, #tpu.memory_space<hbm>> -> memref<1x2000xi32, #tpu.memory_space<hbm>>
    %dma_wait3A_51 = tpu.memref_squeeze %dma_wait3A_50 : memref<1x2000xi32, #tpu.memory_space<hbm>> -> memref<2000xi32, #tpu.memory_space<hbm>>
    %dma_wait3A_52 = tpu.memref_slice %arg3[%dma_wait3A_49, %add3A_33] : memref<2x320000xi32, #tpu.memory_space<hbm>> -> memref<1x2000xi32, #tpu.memory_space<hbm>>
    %dma_wait3A_53 = tpu.memref_squeeze %dma_wait3A_52 : memref<1x2000xi32, #tpu.memory_space<hbm>> -> memref<2000xi32, #tpu.memory_space<hbm>>
    tpu.wait_dma2 semaphore(%arg16 : memref<!tpu.dma_semaphore, #tpu.memory_space<semaphore_mem>>) src(%dma_wait3A_53 : memref<2000xi32, #tpu.memory_space<hbm>>) dst(%arg12 : memref<2000xi32, #tpu.memory_space<vmem>>)
    %dma_wait3A_54 = arith.constant 1 : i32
    %dma_wait3A_55 = tpu.memref_slice %arg3[%dma_wait3A_54, %add3A_33] : memref<2x320000xi32, #tpu.memory_space<hbm>> -> memref<1x2000xi32, #tpu.memory_space<hbm>>
    %dma_wait3A_56 = tpu.memref_squeeze %dma_wait3A_55 : memref<1x2000xi32, #tpu.memory_space<hbm>> -> memref<2000xi32, #tpu.memory_space<hbm>>
    %dma_wait3A_57 = tpu.memref_slice %arg3[%dma_wait3A_54, %add3A_33] : memref<2x320000xi32, #tpu.memory_space<hbm>> -> memref<1x2000xi32, #tpu.memory_space<hbm>>
    %dma_wait3A_58 = tpu.memref_squeeze %dma_wait3A_57 : memref<1x2000xi32, #tpu.memory_space<hbm>> -> memref<2000xi32, #tpu.memory_space<hbm>>
    tpu.wait_dma2 semaphore(%arg16 : memref<!tpu.dma_semaphore, #tpu.memory_space<semaphore_mem>>) src(%dma_wait3A_58 : memref<2000xi32, #tpu.memory_space<hbm>>) dst(%arg13 : memref<2000xi32, #tpu.memory_space<vmem>>)
    %dma_wait3A_59 = tpu.memref_slice %arg4[%add3A_33] : memref<320000xi32, #tpu.memory_space<hbm>> -> memref<2000xi32, #tpu.memory_space<hbm>>
    %dma_wait3A_60 = tpu.memref_slice %arg4[%add3A_33] : memref<320000xi32, #tpu.memory_space<hbm>> -> memref<2000xi32, #tpu.memory_space<hbm>>
    tpu.wait_dma2 semaphore(%arg16 : memref<!tpu.dma_semaphore, #tpu.memory_space<semaphore_mem>>) src(%dma_wait3A_60 : memref<2000xi32, #tpu.memory_space<hbm>>) dst(%arg14 : memref<2000xi32, #tpu.memory_space<vmem>>)
    %mul3A_61 = arith.constant 10000 : i32
    %mul3A_62 = arith.muli %add3A, %mul3A_61 : i32
    %add3A_63 = arith.constant 4000 : i32
    %add3A_64 = arith.addi %mul3A_62, %add3A_63 : i32
    %dma_start3A_65 = arith.constant 0 : i32
    %dma_start3A_66 = tpu.memref_slice %arg3[%dma_start3A_65, %add3A_64] : memref<2x320000xi32, #tpu.memory_space<hbm>> -> memref<1x2000xi32, #tpu.memory_space<hbm>>
    %dma_start3A_67 = tpu.memref_squeeze %dma_start3A_66 : memref<1x2000xi32, #tpu.memory_space<hbm>> -> memref<2000xi32, #tpu.memory_space<hbm>>
    %dma_start3A_68 = tpu.memref_slice %arg3[%dma_start3A_65, %add3A_64] : memref<2x320000xi32, #tpu.memory_space<hbm>> -> memref<1x2000xi32, #tpu.memory_space<hbm>>
    %dma_start3A_69 = tpu.memref_squeeze %dma_start3A_68 : memref<1x2000xi32, #tpu.memory_space<hbm>> -> memref<2000xi32, #tpu.memory_space<hbm>>
    tpu.enqueue_dma source(%dma_start3A_69 : memref<2000xi32, #tpu.memory_space<hbm>>) target(%arg9 : memref<2000xi32, #tpu.memory_space<vmem>>) target_semaphore(%arg15 : memref<!tpu.dma_semaphore, #tpu.memory_space<semaphore_mem>>)
    %dma_start3A_70 = arith.constant 1 : i32
    %dma_start3A_71 = tpu.memref_slice %arg3[%dma_start3A_70, %add3A_64] : memref<2x320000xi32, #tpu.memory_space<hbm>> -> memref<1x2000xi32, #tpu.memory_space<hbm>>
    %dma_start3A_72 = tpu.memref_squeeze %dma_start3A_71 : memref<1x2000xi32, #tpu.memory_space<hbm>> -> memref<2000xi32, #tpu.memory_space<hbm>>
    %dma_start3A_73 = tpu.memref_slice %arg3[%dma_start3A_70, %add3A_64] : memref<2x320000xi32, #tpu.memory_space<hbm>> -> memref<1x2000xi32, #tpu.memory_space<hbm>>
    %dma_start3A_74 = tpu.memref_squeeze %dma_start3A_73 : memref<1x2000xi32, #tpu.memory_space<hbm>> -> memref<2000xi32, #tpu.memory_space<hbm>>
    tpu.enqueue_dma source(%dma_start3A_74 : memref<2000xi32, #tpu.memory_space<hbm>>) target(%arg10 : memref<2000xi32, #tpu.memory_space<vmem>>) target_semaphore(%arg15 : memref<!tpu.dma_semaphore, #tpu.memory_space<semaphore_mem>>)
    %dma_start3A_75 = tpu.memref_slice %arg4[%add3A_64] : memref<320000xi32, #tpu.memory_space<hbm>> -> memref<2000xi32, #tpu.memory_space<hbm>>
    %dma_start3A_76 = tpu.memref_slice %arg4[%add3A_64] : memref<320000xi32, #tpu.memory_space<hbm>> -> memref<2000xi32, #tpu.memory_space<hbm>>
    tpu.enqueue_dma source(%dma_start3A_76 : memref<2000xi32, #tpu.memory_space<hbm>>) target(%arg11 : memref<2000xi32, #tpu.memory_space<vmem>>) target_semaphore(%arg15 : memref<!tpu.dma_semaphore, #tpu.memory_space<semaphore_mem>>)
    %parallel_loop3A_77 = arith.constant 0 : i32
    %parallel_loop3A_78 = arith.constant 125 : i32
    %parallel_loop3A_79 = arith.constant 1 : i32
    scf.for %parallel_loop3A_185 = %parallel_loop3A_77 to %parallel_loop3A_78 step %parallel_loop3A_79  : i32 {
      %parallel_loop3A_186 = arith.constant 16 : i32
      %parallel_loop3A_187 = arith.muli %parallel_loop3A_185, %parallel_loop3A_186 : i32
      %parallel_loop3A_188 = arith.index_cast %parallel_loop3A_187 : i32 to index
      %parallel_loop3A_189 = tpu.vector_load %arg12[%parallel_loop3A_188] {strides = array<i32>} : memref<2000xi32, #tpu.memory_space<vmem>>, vector<16xi32>,
      %parallel_loop3A_190 = arith.index_cast %parallel_loop3A_187 : i32 to index
      %parallel_loop3A_191 = tpu.vector_load %arg13[%parallel_loop3A_190] {strides = array<i32>} : memref<2000xi32, #tpu.memory_space<vmem>>, vector<16xi32>,
      %parallel_loop3A_192 = arith.index_cast %parallel_loop3A_187 : i32 to index
      %parallel_loop3A_193 = tpu.vector_load %arg14[%parallel_loop3A_192] {strides = array<i32>} : memref<2000xi32, #tpu.memory_space<vmem>>, vector<16xi32>,
      %parallel_loop3A_194 = arith.constant 10240 : i32
      %parallel_loop3A_195 = vector.broadcast %parallel_loop3A_194 : i32 to vector<16xi32>
      %parallel_loop3A_196 = arith.muli %parallel_loop3A_193, %parallel_loop3A_195 : vector<16xi32>
      %parallel_loop3A_197 = arith.addi %parallel_loop3A_196, %parallel_loop3A_189 : vector<16xi32>
      %parallel_loop3A_198 = tpu.vector_load_idx %arg6[%parallel_loop3A_197] : memref<92160xi32, #tpu.memory_space<vmem>>[vector<16xi32>], vector<16xi32>,
      %parallel_loop3A_199 = arith.constant 16 : i32
      %parallel_loop3A_200 = vector.broadcast %parallel_loop3A_199 : i32 to vector<16xi32>
      %parallel_loop3A_201 = arith.shli %parallel_loop3A_198, %parallel_loop3A_200 : vector<16xi32>
      %parallel_loop3A_202 = vector.bitcast %parallel_loop3A_201 : vector<16xi32> to vector<16xf32>
      %parallel_loop3A_203 = arith.constant -65536 : i32
      %parallel_loop3A_204 = vector.broadcast %parallel_loop3A_203 : i32 to vector<16xi32>
      %parallel_loop3A_205 = arith.andi %parallel_loop3A_198, %parallel_loop3A_204 : vector<16xi32>
      %parallel_loop3A_206 = vector.bitcast %parallel_loop3A_205 : vector<16xi32> to vector<16xf32>
      tpu.vector_store_idx %arg7[%parallel_loop3A_191], %parallel_loop3A_202 {add = true} : memref<10240xf32, #tpu.memory_space<vmem>>[vector<16xi32>], vector<16xf32>,
      tpu.vector_store_idx %arg8[%parallel_loop3A_191], %parallel_loop3A_206 {add = true} : memref<10240xf32, #tpu.memory_space<vmem>>[vector<16xi32>], vector<16xf32>,
    } {sc.loop_unroll_factor = 4 : i64, sc.parallel_access}
    %dma_wait3A_80 = arith.constant 0 : i32
    %dma_wait3A_81 = tpu.memref_slice %arg3[%dma_wait3A_80, %add3A_64] : memref<2x320000xi32, #tpu.memory_space<hbm>> -> memref<1x2000xi32, #tpu.memory_space<hbm>>
    %dma_wait3A_82 = tpu.memref_squeeze %dma_wait3A_81 : memref<1x2000xi32, #tpu.memory_space<hbm>> -> memref<2000xi32, #tpu.memory_space<hbm>>
    %dma_wait3A_83 = tpu.memref_slice %arg3[%dma_wait3A_80, %add3A_64] : memref<2x320000xi32, #tpu.memory_space<hbm>> -> memref<1x2000xi32, #tpu.memory_space<hbm>>
    %dma_wait3A_84 = tpu.memref_squeeze %dma_wait3A_83 : memref<1x2000xi32, #tpu.memory_space<hbm>> -> memref<2000xi32, #tpu.memory_space<hbm>>
    tpu.wait_dma2 semaphore(%arg15 : memref<!tpu.dma_semaphore, #tpu.memory_space<semaphore_mem>>) src(%dma_wait3A_84 : memref<2000xi32, #tpu.memory_space<hbm>>) dst(%arg9 : memref<2000xi32, #tpu.memory_space<vmem>>)
    %dma_wait3A_85 = arith.constant 1 : i32
    %dma_wait3A_86 = tpu.memref_slice %arg3[%dma_wait3A_85, %add3A_64] : memref<2x320000xi32, #tpu.memory_space<hbm>> -> memref<1x2000xi32, #tpu.memory_space<hbm>>
    %dma_wait3A_87 = tpu.memref_squeeze %dma_wait3A_86 : memref<1x2000xi32, #tpu.memory_space<hbm>> -> memref<2000xi32, #tpu.memory_space<hbm>>
    %dma_wait3A_88 = tpu.memref_slice %arg3[%dma_wait3A_85, %add3A_64] : memref<2x320000xi32, #tpu.memory_space<hbm>> -> memref<1x2000xi32, #tpu.memory_space<hbm>>
    %dma_wait3A_89 = tpu.memref_squeeze %dma_wait3A_88 : memref<1x2000xi32, #tpu.memory_space<hbm>> -> memref<2000xi32, #tpu.memory_space<hbm>>
    tpu.wait_dma2 semaphore(%arg15 : memref<!tpu.dma_semaphore, #tpu.memory_space<semaphore_mem>>) src(%dma_wait3A_89 : memref<2000xi32, #tpu.memory_space<hbm>>) dst(%arg10 : memref<2000xi32, #tpu.memory_space<vmem>>)
    %dma_wait3A_90 = tpu.memref_slice %arg4[%add3A_64] : memref<320000xi32, #tpu.memory_space<hbm>> -> memref<2000xi32, #tpu.memory_space<hbm>>
    %dma_wait3A_91 = tpu.memref_slice %arg4[%add3A_64] : memref<320000xi32, #tpu.memory_space<hbm>> -> memref<2000xi32, #tpu.memory_space<hbm>>
    tpu.wait_dma2 semaphore(%arg15 : memref<!tpu.dma_semaphore, #tpu.memory_space<semaphore_mem>>) src(%dma_wait3A_91 : memref<2000xi32, #tpu.memory_space<hbm>>) dst(%arg11 : memref<2000xi32, #tpu.memory_space<vmem>>)
    %mul3A_92 = arith.constant 10000 : i32
    %mul3A_93 = arith.muli %add3A, %mul3A_92 : i32
    %add3A_94 = arith.constant 6000 : i32
    %add3A_95 = arith.addi %mul3A_93, %add3A_94 : i32
    %dma_start3A_96 = arith.constant 0 : i32
    %dma_start3A_97 = tpu.memref_slice %arg3[%dma_start3A_96, %add3A_95] : memref<2x320000xi32, #tpu.memory_space<hbm>> -> memref<1x2000xi32, #tpu.memory_space<hbm>>
    %dma_start3A_98 = tpu.memref_squeeze %dma_start3A_97 : memref<1x2000xi32, #tpu.memory_space<hbm>> -> memref<2000xi32, #tpu.memory_space<hbm>>
    %dma_start3A_99 = tpu.memref_slice %arg3[%dma_start3A_96, %add3A_95] : memref<2x320000xi32, #tpu.memory_space<hbm>> -> memref<1x2000xi32, #tpu.memory_space<hbm>>
    %dma_start3A_100 = tpu.memref_squeeze %dma_start3A_99 : memref<1x2000xi32, #tpu.memory_space<hbm>> -> memref<2000xi32, #tpu.memory_space<hbm>>
    tpu.enqueue_dma source(%dma_start3A_100 : memref<2000xi32, #tpu.memory_space<hbm>>) target(%arg12 : memref<2000xi32, #tpu.memory_space<vmem>>) target_semaphore(%arg16 : memref<!tpu.dma_semaphore, #tpu.memory_space<semaphore_mem>>)
    %dma_start3A_101 = arith.constant 1 : i32
    %dma_start3A_102 = tpu.memref_slice %arg3[%dma_start3A_101, %add3A_95] : memref<2x320000xi32, #tpu.memory_space<hbm>> -> memref<1x2000xi32, #tpu.memory_space<hbm>>
    %dma_start3A_103 = tpu.memref_squeeze %dma_start3A_102 : memref<1x2000xi32, #tpu.memory_space<hbm>> -> memref<2000xi32, #tpu.memory_space<hbm>>
    %dma_start3A_104 = tpu.memref_slice %arg3[%dma_start3A_101, %add3A_95] : memref<2x320000xi32, #tpu.memory_space<hbm>> -> memref<1x2000xi32, #tpu.memory_space<hbm>>
    %dma_start3A_105 = tpu.memref_squeeze %dma_start3A_104 : memref<1x2000xi32, #tpu.memory_space<hbm>> -> memref<2000xi32, #tpu.memory_space<hbm>>
    tpu.enqueue_dma source(%dma_start3A_105 : memref<2000xi32, #tpu.memory_space<hbm>>) target(%arg13 : memref<2000xi32, #tpu.memory_space<vmem>>) target_semaphore(%arg16 : memref<!tpu.dma_semaphore, #tpu.memory_space<semaphore_mem>>)
    %dma_start3A_106 = tpu.memref_slice %arg4[%add3A_95] : memref<320000xi32, #tpu.memory_space<hbm>> -> memref<2000xi32, #tpu.memory_space<hbm>>
    %dma_start3A_107 = tpu.memref_slice %arg4[%add3A_95] : memref<320000xi32, #tpu.memory_space<hbm>> -> memref<2000xi32, #tpu.memory_space<hbm>>
    tpu.enqueue_dma source(%dma_start3A_107 : memref<2000xi32, #tpu.memory_space<hbm>>) target(%arg14 : memref<2000xi32, #tpu.memory_space<vmem>>) target_semaphore(%arg16 : memref<!tpu.dma_semaphore, #tpu.memory_space<semaphore_mem>>)
    %parallel_loop3A_108 = arith.constant 0 : i32
    %parallel_loop3A_109 = arith.constant 125 : i32
    %parallel_loop3A_110 = arith.constant 1 : i32
    scf.for %parallel_loop3A_185 = %parallel_loop3A_108 to %parallel_loop3A_109 step %parallel_loop3A_110  : i32 {
      %parallel_loop3A_186 = arith.constant 16 : i32
      %parallel_loop3A_187 = arith.muli %parallel_loop3A_185, %parallel_loop3A_186 : i32
      %parallel_loop3A_188 = arith.index_cast %parallel_loop3A_187 : i32 to index
      %parallel_loop3A_189 = tpu.vector_load %arg9[%parallel_loop3A_188] {strides = array<i32>} : memref<2000xi32, #tpu.memory_space<vmem>>, vector<16xi32>,
      %parallel_loop3A_190 = arith.index_cast %parallel_loop3A_187 : i32 to index
      %parallel_loop3A_191 = tpu.vector_load %arg10[%parallel_loop3A_190] {strides = array<i32>} : memref<2000xi32, #tpu.memory_space<vmem>>, vector<16xi32>,
      %parallel_loop3A_192 = arith.index_cast %parallel_loop3A_187 : i32 to index
      %parallel_loop3A_193 = tpu.vector_load %arg11[%parallel_loop3A_192] {strides = array<i32>} : memref<2000xi32, #tpu.memory_space<vmem>>, vector<16xi32>,
      %parallel_loop3A_194 = arith.constant 10240 : i32
      %parallel_loop3A_195 = vector.broadcast %parallel_loop3A_194 : i32 to vector<16xi32>
      %parallel_loop3A_196 = arith.muli %parallel_loop3A_193, %parallel_loop3A_195 : vector<16xi32>
      %parallel_loop3A_197 = arith.addi %parallel_loop3A_196, %parallel_loop3A_189 : vector<16xi32>
      %parallel_loop3A_198 = tpu.vector_load_idx %arg6[%parallel_loop3A_197] : memref<92160xi32, #tpu.memory_space<vmem>>[vector<16xi32>], vector<16xi32>,
      %parallel_loop3A_199 = arith.constant 16 : i32
      %parallel_loop3A_200 = vector.broadcast %parallel_loop3A_199 : i32 to vector<16xi32>
      %parallel_loop3A_201 = arith.shli %parallel_loop3A_198, %parallel_loop3A_200 : vector<16xi32>
      %parallel_loop3A_202 = vector.bitcast %parallel_loop3A_201 : vector<16xi32> to vector<16xf32>
      %parallel_loop3A_203 = arith.constant -65536 : i32
      %parallel_loop3A_204 = vector.broadcast %parallel_loop3A_203 : i32 to vector<16xi32>
      %parallel_loop3A_205 = arith.andi %parallel_loop3A_198, %parallel_loop3A_204 : vector<16xi32>
      %parallel_loop3A_206 = vector.bitcast %parallel_loop3A_205 : vector<16xi32> to vector<16xf32>
      tpu.vector_store_idx %arg7[%parallel_loop3A_191], %parallel_loop3A_202 {add = true} : memref<10240xf32, #tpu.memory_space<vmem>>[vector<16xi32>], vector<16xf32>,
      tpu.vector_store_idx %arg8[%parallel_loop3A_191], %parallel_loop3A_206 {add = true} : memref<10240xf32, #tpu.memory_space<vmem>>[vector<16xi32>], vector<16xf32>,
    } {sc.loop_unroll_factor = 4 : i64, sc.parallel_access}
    %dma_wait3A_111 = arith.constant 0 : i32
    %dma_wait3A_112 = tpu.memref_slice %arg3[%dma_wait3A_111, %add3A_95] : memref<2x320000xi32, #tpu.memory_space<hbm>> -> memref<1x2000xi32, #tpu.memory_space<hbm>>
    %dma_wait3A_113 = tpu.memref_squeeze %dma_wait3A_112 : memref<1x2000xi32, #tpu.memory_space<hbm>> -> memref<2000xi32, #tpu.memory_space<hbm>>
    %dma_wait3A_114 = tpu.memref_slice %arg3[%dma_wait3A_111, %add3A_95] : memref<2x320000xi32, #tpu.memory_space<hbm>> -> memref<1x2000xi32, #tpu.memory_space<hbm>>
    %dma_wait3A_115 = tpu.memref_squeeze %dma_wait3A_114 : memref<1x2000xi32, #tpu.memory_space<hbm>> -> memref<2000xi32, #tpu.memory_space<hbm>>
    tpu.wait_dma2 semaphore(%arg16 : memref<!tpu.dma_semaphore, #tpu.memory_space<semaphore_mem>>) src(%dma_wait3A_115 : memref<2000xi32, #tpu.memory_space<hbm>>) dst(%arg12 : memref<2000xi32, #tpu.memory_space<vmem>>)
    %dma_wait3A_116 = arith.constant 1 : i32
    %dma_wait3A_117 = tpu.memref_slice %arg3[%dma_wait3A_116, %add3A_95] : memref<2x320000xi32, #tpu.memory_space<hbm>> -> memref<1x2000xi32, #tpu.memory_space<hbm>>
    %dma_wait3A_118 = tpu.memref_squeeze %dma_wait3A_117 : memref<1x2000xi32, #tpu.memory_space<hbm>> -> memref<2000xi32, #tpu.memory_space<hbm>>
    %dma_wait3A_119 = tpu.memref_slice %arg3[%dma_wait3A_116, %add3A_95] : memref<2x320000xi32, #tpu.memory_space<hbm>> -> memref<1x2000xi32, #tpu.memory_space<hbm>>
    %dma_wait3A_120 = tpu.memref_squeeze %dma_wait3A_119 : memref<1x2000xi32, #tpu.memory_space<hbm>> -> memref<2000xi32, #tpu.memory_space<hbm>>
    tpu.wait_dma2 semaphore(%arg16 : memref<!tpu.dma_semaphore, #tpu.memory_space<semaphore_mem>>) src(%dma_wait3A_120 : memref<2000xi32, #tpu.memory_space<hbm>>) dst(%arg13 : memref<2000xi32, #tpu.memory_space<vmem>>)
    %dma_wait3A_121 = tpu.memref_slice %arg4[%add3A_95] : memref<320000xi32, #tpu.memory_space<hbm>> -> memref<2000xi32, #tpu.memory_space<hbm>>
    %dma_wait3A_122 = tpu.memref_slice %arg4[%add3A_95] : memref<320000xi32, #tpu.memory_space<hbm>> -> memref<2000xi32, #tpu.memory_space<hbm>>
    tpu.wait_dma2 semaphore(%arg16 : memref<!tpu.dma_semaphore, #tpu.memory_space<semaphore_mem>>) src(%dma_wait3A_122 : memref<2000xi32, #tpu.memory_space<hbm>>) dst(%arg14 : memref<2000xi32, #tpu.memory_space<vmem>>)
    %mul3A_123 = arith.constant 10000 : i32
    %mul3A_124 = arith.muli %add3A, %mul3A_123 : i32
    %add3A_125 = arith.constant 8000 : i32
    %add3A_126 = arith.addi %mul3A_124, %add3A_125 : i32
    %dma_start3A_127 = arith.constant 0 : i32
    %dma_start3A_128 = tpu.memref_slice %arg3[%dma_start3A_127, %add3A_126] : memref<2x320000xi32, #tpu.memory_space<hbm>> -> memref<1x2000xi32, #tpu.memory_space<hbm>>
    %dma_start3A_129 = tpu.memref_squeeze %dma_start3A_128 : memref<1x2000xi32, #tpu.memory_space<hbm>> -> memref<2000xi32, #tpu.memory_space<hbm>>
    %dma_start3A_130 = tpu.memref_slice %arg3[%dma_start3A_127, %add3A_126] : memref<2x320000xi32, #tpu.memory_space<hbm>> -> memref<1x2000xi32, #tpu.memory_space<hbm>>
    %dma_start3A_131 = tpu.memref_squeeze %dma_start3A_130 : memref<1x2000xi32, #tpu.memory_space<hbm>> -> memref<2000xi32, #tpu.memory_space<hbm>>
    tpu.enqueue_dma source(%dma_start3A_131 : memref<2000xi32, #tpu.memory_space<hbm>>) target(%arg9 : memref<2000xi32, #tpu.memory_space<vmem>>) target_semaphore(%arg15 : memref<!tpu.dma_semaphore, #tpu.memory_space<semaphore_mem>>)
    %dma_start3A_132 = arith.constant 1 : i32
    %dma_start3A_133 = tpu.memref_slice %arg3[%dma_start3A_132, %add3A_126] : memref<2x320000xi32, #tpu.memory_space<hbm>> -> memref<1x2000xi32, #tpu.memory_space<hbm>>
    %dma_start3A_134 = tpu.memref_squeeze %dma_start3A_133 : memref<1x2000xi32, #tpu.memory_space<hbm>> -> memref<2000xi32, #tpu.memory_space<hbm>>
    %dma_start3A_135 = tpu.memref_slice %arg3[%dma_start3A_132, %add3A_126] : memref<2x320000xi32, #tpu.memory_space<hbm>> -> memref<1x2000xi32, #tpu.memory_space<hbm>>
    %dma_start3A_136 = tpu.memref_squeeze %dma_start3A_135 : memref<1x2000xi32, #tpu.memory_space<hbm>> -> memref<2000xi32, #tpu.memory_space<hbm>>
    tpu.enqueue_dma source(%dma_start3A_136 : memref<2000xi32, #tpu.memory_space<hbm>>) target(%arg10 : memref<2000xi32, #tpu.memory_space<vmem>>) target_semaphore(%arg15 : memref<!tpu.dma_semaphore, #tpu.memory_space<semaphore_mem>>)
    %dma_start3A_137 = tpu.memref_slice %arg4[%add3A_126] : memref<320000xi32, #tpu.memory_space<hbm>> -> memref<2000xi32, #tpu.memory_space<hbm>>
    %dma_start3A_138 = tpu.memref_slice %arg4[%add3A_126] : memref<320000xi32, #tpu.memory_space<hbm>> -> memref<2000xi32, #tpu.memory_space<hbm>>
    tpu.enqueue_dma source(%dma_start3A_138 : memref<2000xi32, #tpu.memory_space<hbm>>) target(%arg11 : memref<2000xi32, #tpu.memory_space<vmem>>) target_semaphore(%arg15 : memref<!tpu.dma_semaphore, #tpu.memory_space<semaphore_mem>>)
    %parallel_loop3A_139 = arith.constant 0 : i32
    %parallel_loop3A_140 = arith.constant 125 : i32
    %parallel_loop3A_141 = arith.constant 1 : i32
    scf.for %parallel_loop3A_185 = %parallel_loop3A_139 to %parallel_loop3A_140 step %parallel_loop3A_141  : i32 {
      %parallel_loop3A_186 = arith.constant 16 : i32
      %parallel_loop3A_187 = arith.muli %parallel_loop3A_185, %parallel_loop3A_186 : i32
      %parallel_loop3A_188 = arith.index_cast %parallel_loop3A_187 : i32 to index
      %parallel_loop3A_189 = tpu.vector_load %arg12[%parallel_loop3A_188] {strides = array<i32>} : memref<2000xi32, #tpu.memory_space<vmem>>, vector<16xi32>,
      %parallel_loop3A_190 = arith.index_cast %parallel_loop3A_187 : i32 to index
      %parallel_loop3A_191 = tpu.vector_load %arg13[%parallel_loop3A_190] {strides = array<i32>} : memref<2000xi32, #tpu.memory_space<vmem>>, vector<16xi32>,
      %parallel_loop3A_192 = arith.index_cast %parallel_loop3A_187 : i32 to index
      %parallel_loop3A_193 = tpu.vector_load %arg14[%parallel_loop3A_192] {strides = array<i32>} : memref<2000xi32, #tpu.memory_space<vmem>>, vector<16xi32>,
      %parallel_loop3A_194 = arith.constant 10240 : i32
      %parallel_loop3A_195 = vector.broadcast %parallel_loop3A_194 : i32 to vector<16xi32>
      %parallel_loop3A_196 = arith.muli %parallel_loop3A_193, %parallel_loop3A_195 : vector<16xi32>
      %parallel_loop3A_197 = arith.addi %parallel_loop3A_196, %parallel_loop3A_189 : vector<16xi32>
      %parallel_loop3A_198 = tpu.vector_load_idx %arg6[%parallel_loop3A_197] : memref<92160xi32, #tpu.memory_space<vmem>>[vector<16xi32>], vector<16xi32>,
      %parallel_loop3A_199 = arith.constant 16 : i32
      %parallel_loop3A_200 = vector.broadcast %parallel_loop3A_199 : i32 to vector<16xi32>
      %parallel_loop3A_201 = arith.shli %parallel_loop3A_198, %parallel_loop3A_200 : vector<16xi32>
      %parallel_loop3A_202 = vector.bitcast %parallel_loop3A_201 : vector<16xi32> to vector<16xf32>
      %parallel_loop3A_203 = arith.constant -65536 : i32
      %parallel_loop3A_204 = vector.broadcast %parallel_loop3A_203 : i32 to vector<16xi32>
      %parallel_loop3A_205 = arith.andi %parallel_loop3A_198, %parallel_loop3A_204 : vector<16xi32>
      %parallel_loop3A_206 = vector.bitcast %parallel_loop3A_205 : vector<16xi32> to vector<16xf32>
      tpu.vector_store_idx %arg7[%parallel_loop3A_191], %parallel_loop3A_202 {add = true} : memref<10240xf32, #tpu.memory_space<vmem>>[vector<16xi32>], vector<16xf32>,
      tpu.vector_store_idx %arg8[%parallel_loop3A_191], %parallel_loop3A_206 {add = true} : memref<10240xf32, #tpu.memory_space<vmem>>[vector<16xi32>], vector<16xf32>,
    } {sc.loop_unroll_factor = 4 : i64, sc.parallel_access}
    %dma_wait3A_142 = arith.constant 0 : i32
    %dma_wait3A_143 = tpu.memref_slice %arg3[%dma_wait3A_142, %add3A_126] : memref<2x320000xi32, #tpu.memory_space<hbm>> -> memref<1x2000xi32, #tpu.memory_space<hbm>>
    %dma_wait3A_144 = tpu.memref_squeeze %dma_wait3A_143 : memref<1x2000xi32, #tpu.memory_space<hbm>> -> memref<2000xi32, #tpu.memory_space<hbm>>
    %dma_wait3A_145 = tpu.memref_slice %arg3[%dma_wait3A_142, %add3A_126] : memref<2x320000xi32, #tpu.memory_space<hbm>> -> memref<1x2000xi32, #tpu.memory_space<hbm>>
    %dma_wait3A_146 = tpu.memref_squeeze %dma_wait3A_145 : memref<1x2000xi32, #tpu.memory_space<hbm>> -> memref<2000xi32, #tpu.memory_space<hbm>>
    tpu.wait_dma2 semaphore(%arg15 : memref<!tpu.dma_semaphore, #tpu.memory_space<semaphore_mem>>) src(%dma_wait3A_146 : memref<2000xi32, #tpu.memory_space<hbm>>) dst(%arg9 : memref<2000xi32, #tpu.memory_space<vmem>>)
    %dma_wait3A_147 = arith.constant 1 : i32
    %dma_wait3A_148 = tpu.memref_slice %arg3[%dma_wait3A_147, %add3A_126] : memref<2x320000xi32, #tpu.memory_space<hbm>> -> memref<1x2000xi32, #tpu.memory_space<hbm>>
    %dma_wait3A_149 = tpu.memref_squeeze %dma_wait3A_148 : memref<1x2000xi32, #tpu.memory_space<hbm>> -> memref<2000xi32, #tpu.memory_space<hbm>>
    %dma_wait3A_150 = tpu.memref_slice %arg3[%dma_wait3A_147, %add3A_126] : memref<2x320000xi32, #tpu.memory_space<hbm>> -> memref<1x2000xi32, #tpu.memory_space<hbm>>
    %dma_wait3A_151 = tpu.memref_squeeze %dma_wait3A_150 : memref<1x2000xi32, #tpu.memory_space<hbm>> -> memref<2000xi32, #tpu.memory_space<hbm>>
    tpu.wait_dma2 semaphore(%arg15 : memref<!tpu.dma_semaphore, #tpu.memory_space<semaphore_mem>>) src(%dma_wait3A_151 : memref<2000xi32, #tpu.memory_space<hbm>>) dst(%arg10 : memref<2000xi32, #tpu.memory_space<vmem>>)
    %dma_wait3A_152 = tpu.memref_slice %arg4[%add3A_126] : memref<320000xi32, #tpu.memory_space<hbm>> -> memref<2000xi32, #tpu.memory_space<hbm>>
    %dma_wait3A_153 = tpu.memref_slice %arg4[%add3A_126] : memref<320000xi32, #tpu.memory_space<hbm>> -> memref<2000xi32, #tpu.memory_space<hbm>>
    tpu.wait_dma2 semaphore(%arg15 : memref<!tpu.dma_semaphore, #tpu.memory_space<semaphore_mem>>) src(%dma_wait3A_153 : memref<2000xi32, #tpu.memory_space<hbm>>) dst(%arg11 : memref<2000xi32, #tpu.memory_space<vmem>>)
    %parallel_loop3A_154 = arith.constant 0 : i32
    %parallel_loop3A_155 = arith.constant 125 : i32
    %parallel_loop3A_156 = arith.constant 1 : i32
    scf.for %parallel_loop3A_185 = %parallel_loop3A_154 to %parallel_loop3A_155 step %parallel_loop3A_156  : i32 {
      %parallel_loop3A_186 = arith.constant 16 : i32
      %parallel_loop3A_187 = arith.muli %parallel_loop3A_185, %parallel_loop3A_186 : i32
      %parallel_loop3A_188 = arith.index_cast %parallel_loop3A_187 : i32 to index
      %parallel_loop3A_189 = tpu.vector_load %arg9[%parallel_loop3A_188] {strides = array<i32>} : memref<2000xi32, #tpu.memory_space<vmem>>, vector<16xi32>,
      %parallel_loop3A_190 = arith.index_cast %parallel_loop3A_187 : i32 to index
      %parallel_loop3A_191 = tpu.vector_load %arg10[%parallel_loop3A_190] {strides = array<i32>} : memref<2000xi32, #tpu.memory_space<vmem>>, vector<16xi32>,
      %parallel_loop3A_192 = arith.index_cast %parallel_loop3A_187 : i32 to index
      %parallel_loop3A_193 = tpu.vector_load %arg11[%parallel_loop3A_192] {strides = array<i32>} : memref<2000xi32, #tpu.memory_space<vmem>>, vector<16xi32>,
      %parallel_loop3A_194 = arith.constant 10240 : i32
      %parallel_loop3A_195 = vector.broadcast %parallel_loop3A_194 : i32 to vector<16xi32>
      %parallel_loop3A_196 = arith.muli %parallel_loop3A_193, %parallel_loop3A_195 : vector<16xi32>
      %parallel_loop3A_197 = arith.addi %parallel_loop3A_196, %parallel_loop3A_189 : vector<16xi32>
      %parallel_loop3A_198 = tpu.vector_load_idx %arg6[%parallel_loop3A_197] : memref<92160xi32, #tpu.memory_space<vmem>>[vector<16xi32>], vector<16xi32>,
      %parallel_loop3A_199 = arith.constant 16 : i32
      %parallel_loop3A_200 = vector.broadcast %parallel_loop3A_199 : i32 to vector<16xi32>
      %parallel_loop3A_201 = arith.shli %parallel_loop3A_198, %parallel_loop3A_200 : vector<16xi32>
      %parallel_loop3A_202 = vector.bitcast %parallel_loop3A_201 : vector<16xi32> to vector<16xf32>
      %parallel_loop3A_203 = arith.constant -65536 : i32
      %parallel_loop3A_204 = vector.broadcast %parallel_loop3A_203 : i32 to vector<16xi32>
      %parallel_loop3A_205 = arith.andi %parallel_loop3A_198, %parallel_loop3A_204 : vector<16xi32>
      %parallel_loop3A_206 = vector.bitcast %parallel_loop3A_205 : vector<16xi32> to vector<16xf32>
      tpu.vector_store_idx %arg7[%parallel_loop3A_191], %parallel_loop3A_202 {add = true} : memref<10240xf32, #tpu.memory_space<vmem>>[vector<16xi32>], vector<16xf32>,
      tpu.vector_store_idx %arg8[%parallel_loop3A_191], %parallel_loop3A_206 {add = true} : memref<10240xf32, #tpu.memory_space<vmem>>[vector<16xi32>], vector<16xf32>,
    } {sc.loop_unroll_factor = 4 : i64, sc.parallel_access}
    %dma_start3A_157 = arith.constant 0 : i32
    %dma_start3A_158 = arith.constant 0 : i32
    %dma_start3A_159 = tpu.memref_slice %arg5[%add3A, %dma_start3A_157, %dma_start3A_158] : memref<32x2x10240xf32, #tpu.memory_space<hbm>> -> memref<1x1x10240xf32, #tpu.memory_space<hbm>>
    %dma_start3A_160 = tpu.memref_squeeze %dma_start3A_159 : memref<1x1x10240xf32, #tpu.memory_space<hbm>> -> memref<10240xf32, #tpu.memory_space<hbm>>
    %dma_start3A_161 = arith.constant 0 : i32
    %dma_start3A_162 = tpu.memref_slice %arg5[%add3A, %dma_start3A_157, %dma_start3A_161] : memref<32x2x10240xf32, #tpu.memory_space<hbm>> -> memref<1x1x10240xf32, #tpu.memory_space<hbm>>
    %dma_start3A_163 = tpu.memref_squeeze %dma_start3A_162 : memref<1x1x10240xf32, #tpu.memory_space<hbm>> -> memref<10240xf32, #tpu.memory_space<hbm>>
    tpu.enqueue_dma source(%arg7 : memref<10240xf32, #tpu.memory_space<vmem>>) target(%dma_start3A_163 : memref<10240xf32, #tpu.memory_space<hbm>>) target_semaphore(%arg17 : memref<!tpu.dma_semaphore, #tpu.memory_space<semaphore_mem>>)
    %dma_start3A_164 = arith.constant 1 : i32
    %dma_start3A_165 = arith.constant 0 : i32
    %dma_start3A_166 = tpu.memref_slice %arg5[%add3A, %dma_start3A_164, %dma_start3A_165] : memref<32x2x10240xf32, #tpu.memory_space<hbm>> -> memref<1x1x10240xf32, #tpu.memory_space<hbm>>
    %dma_start3A_167 = tpu.memref_squeeze %dma_start3A_166 : memref<1x1x10240xf32, #tpu.memory_space<hbm>> -> memref<10240xf32, #tpu.memory_space<hbm>>
    %dma_start3A_168 = arith.constant 0 : i32
    %dma_start3A_169 = tpu.memref_slice %arg5[%add3A, %dma_start3A_164, %dma_start3A_168] : memref<32x2x10240xf32, #tpu.memory_space<hbm>> -> memref<1x1x10240xf32, #tpu.memory_space<hbm>>
    %dma_start3A_170 = tpu.memref_squeeze %dma_start3A_169 : memref<1x1x10240xf32, #tpu.memory_space<hbm>> -> memref<10240xf32, #tpu.memory_space<hbm>>
    tpu.enqueue_dma source(%arg8 : memref<10240xf32, #tpu.memory_space<vmem>>) target(%dma_start3A_170 : memref<10240xf32, #tpu.memory_space<hbm>>) target_semaphore(%arg17 : memref<!tpu.dma_semaphore, #tpu.memory_space<semaphore_mem>>)
    %dma_wait3A_171 = arith.constant 0 : i32
    %dma_wait3A_172 = arith.constant 0 : i32
    %dma_wait3A_173 = tpu.memref_slice %arg5[%add3A, %dma_wait3A_171, %dma_wait3A_172] : memref<32x2x10240xf32, #tpu.memory_space<hbm>> -> memref<1x1x10240xf32, #tpu.memory_space<hbm>>
    %dma_wait3A_174 = tpu.memref_squeeze %dma_wait3A_173 : memref<1x1x10240xf32, #tpu.memory_space<hbm>> -> memref<10240xf32, #tpu.memory_space<hbm>>
    %dma_wait3A_175 = arith.constant 0 : i32
    %dma_wait3A_176 = tpu.memref_slice %arg5[%add3A, %dma_wait3A_171, %dma_wait3A_175] : memref<32x2x10240xf32, #tpu.memory_space<hbm>> -> memref<1x1x10240xf32, #tpu.memory_space<hbm>>
    %dma_wait3A_177 = tpu.memref_squeeze %dma_wait3A_176 : memref<1x1x10240xf32, #tpu.memory_space<hbm>> -> memref<10240xf32, #tpu.memory_space<hbm>>
    tpu.wait_dma2 semaphore(%arg17 : memref<!tpu.dma_semaphore, #tpu.memory_space<semaphore_mem>>) src(%arg7 : memref<10240xf32, #tpu.memory_space<vmem>>) dst(%dma_wait3A_177 : memref<10240xf32, #tpu.memory_space<hbm>>)
    %dma_wait3A_178 = arith.constant 1 : i32
    %dma_wait3A_179 = arith.constant 0 : i32
    %dma_wait3A_180 = tpu.memref_slice %arg5[%add3A, %dma_wait3A_178, %dma_wait3A_179] : memref<32x2x10240xf32, #tpu.memory_space<hbm>> -> memref<1x1x10240xf32, #tpu.memory_space<hbm>>
    %dma_wait3A_181 = tpu.memref_squeeze %dma_wait3A_180 : memref<1x1x10240xf32, #tpu.memory_space<hbm>> -> memref<10240xf32, #tpu.memory_space<hbm>>
    %dma_wait3A_182 = arith.constant 0 : i32
    %dma_wait3A_183 = tpu.memref_slice %arg5[%add3A, %dma_wait3A_178, %dma_wait3A_182] : memref<32x2x10240xf32, #tpu.memory_space<hbm>> -> memref<1x1x10240xf32, #tpu.memory_space<hbm>>
    %dma_wait3A_184 = tpu.memref_squeeze %dma_wait3A_183 : memref<1x1x10240xf32, #tpu.memory_space<hbm>> -> memref<10240xf32, #tpu.memory_space<hbm>>
    tpu.wait_dma2 semaphore(%arg17 : memref<!tpu.dma_semaphore, #tpu.memory_space<semaphore_mem>>) src(%arg8 : memref<10240xf32, #tpu.memory_space<vmem>>) dst(%dma_wait3A_184 : memref<10240xf32, #tpu.memory_space<hbm>>)
    return
  }
}

module attributes {stable_mosaic.version = 14 : i64} {
  func.func @_pack_kernel(%arg0: i32, %arg1: memref<5120x128xf32, #tpu.memory_space<vmem>>, %arg2: memref<18x128xf32, #tpu.memory_space<vmem>>, %arg3: memref<9x40x128xi32, #tpu.memory_space<vmem>>) attributes {dimension_semantics = [#tpu.dimension_semantics<arbitrary>], iteration_bounds = array<i64: 2>, scalar_prefetch = 0 : i64, scratch_operands = 0 : i64, tpu.core_type = #tpu.core_type<tc>, window_params = [{transform_indices = @transform_0, window_bounds = array<i64: 5120, 128>}, {pipeline_mode = #tpu.pipeline_mode<synchronous>, transform_indices = @transform_1, window_bounds = array<i64: 18, 128>}, {transform_indices = @transform_2, window_bounds = array<i64: 9, 40, 128>}]} {
    %get3A = arith.constant 0 : index
    %get3A_0 = arith.constant 0 : index
    %get3A_1 = vector.load %arg2[%get3A, %get3A_0] : memref<18x128xf32, #tpu.memory_space<vmem>>, vector<18x128xf32>
    %get3A_2 = arith.constant 0 : index
    %get3A_3 = arith.constant 0 : index
    %get3A_4 = vector.load %arg1[%get3A_2, %get3A_3] : memref<5120x128xf32, #tpu.memory_space<vmem>>, vector<5120x128xf32>
    %dot_general3A = arith.constant dense<0.000000e+00> : vector<18x5120xf32>
    %dot_general3A_5 = tpu.matmul %get3A_1, %get3A_4, %dot_general3A {dimension_numbers = #tpu.dot_dimension_numbers<[1], [1], [0], [0], [0, 0, 1, 0], [], []>, transpose_lhs_hint = false} : vector<18x128xf32>, vector<5120x128xf32>, vector<18x5120xf32> -> vector<18x5120xf32>
    %slice3A = vector.extract_strided_slice %dot_general3A_5 {offsets = [0, 0], sizes = [9, 5120], strides = [1, 1]} : vector<18x5120xf32> to vector<9x5120xf32>
    %convert_element_type3A = arith.truncf %slice3A : vector<9x5120xf32> to vector<9x5120xbf16>
    %bitcast_convert_type3A = tpu.bitcast %convert_element_type3A : vector<9x5120xbf16> -> vector<9x5120xi16>
    %convert_element_type3A_6 = arith.extui %bitcast_convert_type3A : vector<9x5120xi16> to vector<9x5120xi32>
    %slice3A_7 = vector.extract_strided_slice %dot_general3A_5 {offsets = [9, 0], sizes = [9, 5120], strides = [1, 1]} : vector<18x5120xf32> to vector<9x5120xf32>
    %convert_element_type3A_8 = arith.truncf %slice3A_7 : vector<9x5120xf32> to vector<9x5120xbf16>
    %bitcast_convert_type3A_9 = tpu.bitcast %convert_element_type3A_8 : vector<9x5120xbf16> -> vector<9x5120xi16>
    %convert_element_type3A_10 = arith.extui %bitcast_convert_type3A_9 : vector<9x5120xi16> to vector<9x5120xi32>
    %shift_left3A = arith.constant 16 : i32
    %shift_left3A_11 = vector.broadcast %shift_left3A : i32 to vector<9x5120xi32>
    %shift_left3A_12 = arith.shli %convert_element_type3A_10, %shift_left3A_11 : vector<9x5120xi32>
    %or3A = arith.ori %shift_left3A_12, %convert_element_type3A_6 : vector<9x5120xi32>
    %bitcast_convert_type3A_13 = tpu.bitcast %or3A : vector<9x5120xi32> -> vector<9x5120xi32>
    %reshape3A = vector.shape_cast %bitcast_convert_type3A_13 : vector<9x5120xi32> to vector<9x40x128xi32>
    %swap3A = arith.constant 0 : index
    %swap3A_14 = arith.constant 0 : index
    %swap3A_15 = arith.constant 0 : index
    %swap3A_16 = vector.load %arg3[%swap3A, %swap3A_14, %swap3A_15] : memref<9x40x128xi32, #tpu.memory_space<vmem>>, vector<9x40x128xi32>
    tpu.vector_store %arg3[%swap3A, %swap3A_14, %swap3A_15], %reshape3A {strides = array<i32>} : memref<9x40x128xi32, #tpu.memory_space<vmem>>, vector<9x40x128xi32>,
    return
  }
  func.func @transform_0(%arg0: i32) -> (i32, i32) {
    %c0_i32 = arith.constant 0 : i32
    %c0_i32_0 = arith.constant 0 : i32
    return %arg0, %c0_i32 : i32, i32
  }
  func.func @transform_1(%arg0: i32) -> (i32, i32) {
    %c0_i32 = arith.constant 0 : i32
    %c0_i32_0 = arith.constant 0 : i32
    %c0_i32_1 = arith.constant 0 : i32
    return %c0_i32, %c0_i32_0 : i32, i32
  }
  func.func @transform_2(%arg0: i32) -> (i32, i32, i32) {
    %c0_i32 = arith.constant 0 : i32
    %c0_i32_0 = arith.constant 0 : i32
    %c0_i32_1 = arith.constant 0 : i32
    return %c0_i32, %arg0, %c0_i32_0 : i32, i32, i32
  }
}

module attributes {stable_mosaic.version = 14 : i64} {
  func.func @_bn_kernel(%arg0: memref<5120x128xf32, #tpu.memory_space<vmem>>, %arg1: memref<2x1xf32, #tpu.memory_space<vmem>>, %arg2: memref<2x1xf32, #tpu.memory_space<vmem>>, %arg3: memref<2x1xf32, #tpu.memory_space<vmem>>, %arg4: memref<2x80x128xf32, #tpu.memory_space<vmem>>) attributes {dimension_semantics = [], scalar_prefetch = 0 : i64, scratch_operands = 0 : i64, tpu.core_type = #tpu.core_type<tc>} {
    %get3A = arith.constant 0 : index
    %get3A_0 = arith.constant 0 : index
    %get3A_1 = vector.load %arg0[%get3A, %get3A_0] : memref<5120x128xf32, #tpu.memory_space<vmem>>, vector<5120x128xf32>
    %reshape3A = vector.shape_cast %get3A_1 : vector<5120x128xf32> to vector<32x2x80x128xf32>
    %reduce_sum3A = arith.constant dense<0.000000e+00> : vector<2x80x128xf32>
    %reduce_sum3A_2 = vector.multi_reduction <add>, %reshape3A, %reduce_sum3A [0] : vector<32x2x80x128xf32> to vector<2x80x128xf32>
    %get3A_3 = arith.constant 0 : index
    %get3A_4 = arith.constant 0 : index
    %get3A_5 = vector.load %arg1[%get3A_3, %get3A_4] : memref<2x1xf32, #tpu.memory_space<vmem>>, vector<2x1xf32>
    %reshape3A_6 = vector.shape_cast %get3A_5 : vector<2x1xf32> to vector<2x1x1xf32>
    %add3A = vector.broadcast %reshape3A_6 : vector<2x1x1xf32> to vector<2x80x128xf32>
    %add3A_7 = arith.addf %reduce_sum3A_2, %add3A : vector<2x80x128xf32>
    %iota3A = tpu.iota {dimensions = array<i32: 1>} : vector<2x80x128xi32>
    %iota3A_8 = tpu.iota {dimensions = array<i32: 2>} : vector<2x80x128xi32>
    %mul3A = arith.constant 128 : i32
    %mul3A_9 = vector.broadcast %mul3A : i32 to vector<2x80x128xi32>
    %mul3A_10 = arith.muli %iota3A, %mul3A_9 : vector<2x80x128xi32>
    %add3A_11 = arith.addi %mul3A_10, %iota3A_8 : vector<2x80x128xi32>
    %lt3A = arith.constant 10000 : i32
    %lt3A_12 = vector.broadcast %lt3A : i32 to vector<2x80x128xi32>
    %lt3A_13 = arith.cmpi slt, %add3A_11, %lt3A_12 : vector<2x80x128xi32>
    %jit3A = arith.constant 0.000000e+00 : f32
    %broadcast_in_dim3A = vector.broadcast %jit3A : f32 to vector<2x80x128xf32>
    %select_n3A = arith.select %lt3A_13, %add3A_7, %broadcast_in_dim3A : vector<2x80x128xi1>, vector<2x80x128xf32>
    %reduce_sum3A_14 = arith.constant dense<0.000000e+00> : vector<2xf32>
    %reduce_sum3A_15 = vector.multi_reduction <add>, %select_n3A, %reduce_sum3A_14 [1, 2] : vector<2x80x128xf32> to vector<2xf32>
    %broadcast_in_dim3A_16 = vector.shape_cast %reduce_sum3A_15 : vector<2xf32> to vector<2x1x1xf32>
    %mul3A_17 = arith.constant 9.99999974E-5 : f32
    %mul3A_18 = vector.broadcast %mul3A_17 : f32 to vector<2x1x1xf32>
    %mul3A_19 = arith.mulf %broadcast_in_dim3A_16, %mul3A_18 : vector<2x1x1xf32>
    %sub3A = vector.broadcast %mul3A_19 : vector<2x1x1xf32> to vector<2x80x128xf32>
    %sub3A_20 = arith.subf %add3A_7, %sub3A : vector<2x80x128xf32>
    %jit3A_21 = arith.constant 0.000000e+00 : f32
    %broadcast_in_dim3A_22 = vector.broadcast %jit3A_21 : f32 to vector<2x80x128xf32>
    %select_n3A_23 = arith.select %lt3A_13, %sub3A_20, %broadcast_in_dim3A_22 : vector<2x80x128xi1>, vector<2x80x128xf32>
    %mul3A_24 = arith.mulf %select_n3A_23, %select_n3A_23 : vector<2x80x128xf32>
    %reduce_sum3A_25 = arith.constant dense<0.000000e+00> : vector<2xf32>
    %reduce_sum3A_26 = vector.multi_reduction <add>, %mul3A_24, %reduce_sum3A_25 [1, 2] : vector<2x80x128xf32> to vector<2xf32>
    %broadcast_in_dim3A_27 = vector.shape_cast %reduce_sum3A_26 : vector<2xf32> to vector<2x1x1xf32>
    %mul3A_28 = arith.constant 9.99999974E-5 : f32
    %mul3A_29 = vector.broadcast %mul3A_28 : f32 to vector<2x1x1xf32>
    %mul3A_30 = arith.mulf %broadcast_in_dim3A_27, %mul3A_29 : vector<2x1x1xf32>
    %sub3A_31 = vector.broadcast %mul3A_19 : vector<2x1x1xf32> to vector<2x80x128xf32>
    %sub3A_32 = arith.subf %add3A_7, %sub3A_31 : vector<2x80x128xf32>
    %add3A_33 = arith.constant 9.99999974E-6 : f32
    %add3A_34 = vector.broadcast %add3A_33 : f32 to vector<2x1x1xf32>
    %add3A_35 = arith.addf %mul3A_30, %add3A_34 : vector<2x1x1xf32>
    %rsqrt3A = math.rsqrt %add3A_35 : vector<2x1x1xf32>
    %mul3A_36 = vector.broadcast %rsqrt3A : vector<2x1x1xf32> to vector<2x80x128xf32>
    %mul3A_37 = arith.mulf %sub3A_32, %mul3A_36 : vector<2x80x128xf32>
    %get3A_38 = arith.constant 0 : index
    %get3A_39 = arith.constant 0 : index
    %get3A_40 = vector.load %arg2[%get3A_38, %get3A_39] : memref<2x1xf32, #tpu.memory_space<vmem>>, vector<2x1xf32>
    %reshape3A_41 = vector.shape_cast %get3A_40 : vector<2x1xf32> to vector<2x1x1xf32>
    %mul3A_42 = vector.broadcast %reshape3A_41 : vector<2x1x1xf32> to vector<2x80x128xf32>
    %mul3A_43 = arith.mulf %mul3A_42, %mul3A_37 : vector<2x80x128xf32>
    %get3A_44 = arith.constant 0 : index
    %get3A_45 = arith.constant 0 : index
    %get3A_46 = vector.load %arg3[%get3A_44, %get3A_45] : memref<2x1xf32, #tpu.memory_space<vmem>>, vector<2x1xf32>
    %reshape3A_47 = vector.shape_cast %get3A_46 : vector<2x1xf32> to vector<2x1x1xf32>
    %add3A_48 = vector.broadcast %reshape3A_47 : vector<2x1x1xf32> to vector<2x80x128xf32>
    %add3A_49 = arith.addf %mul3A_43, %add3A_48 : vector<2x80x128xf32>
    %logistic3A = arith.negf %add3A_49 : vector<2x80x128xf32>
    %logistic3A_50 = math.exp %logistic3A : vector<2x80x128xf32>
    %logistic3A_51 = arith.constant 1.000000e+00 : f32
    %logistic3A_52 = vector.broadcast %logistic3A_51 : f32 to vector<2x80x128xf32>
    %logistic3A_53 = arith.addf %logistic3A_52, %logistic3A_50 : vector<2x80x128xf32>
    %logistic3A_54 = arith.divf %logistic3A_52, %logistic3A_53 : vector<2x80x128xf32>
    %mul3A_55 = arith.constant 3.000000e-01 : f32
    %mul3A_56 = vector.broadcast %mul3A_55 : f32 to vector<2x80x128xf32>
    %mul3A_57 = arith.mulf %mul3A_56, %logistic3A_54 : vector<2x80x128xf32>
    %swap3A = arith.constant 0 : index
    %swap3A_58 = arith.constant 0 : index
    %swap3A_59 = arith.constant 0 : index
    %swap3A_60 = vector.load %arg4[%swap3A, %swap3A_58, %swap3A_59] : memref<2x80x128xf32, #tpu.memory_space<vmem>>, vector<2x80x128xf32>
    tpu.vector_store %arg4[%swap3A, %swap3A_58, %swap3A_59], %mul3A_57 {strides = array<i32>} : memref<2x80x128xf32, #tpu.memory_space<vmem>>, vector<2x80x128xf32>,
    return
  }
}

</mosaic_0001>

<sc_bundles>
// kernel: kernel.5.cloned.1.call-start
scs
__scs_entry_jumppad:
0x0: {  	(pc) =	sbr.rel $0x88, $3  }
0x1: {  	(tag) =	ssettag $0x0;
	lr =	simm.s32 $0x1  }
0x2: {  	[smem:$0x3F9A] =	sst lr;
	_ =	strace $0xD0000000  }
0x3: {  	_ = 	snop  }
0x4: {  	_ = 	snop  }
0x5: {  	_ = 	snop  }
0x6: {  	_ = 	snop  }
0x7: {  	_ = 	snop  }
__scs_overlays_trampoline_lowered:
0x8: {  	[smem:$0x3FA9] =	sst s0  }
0x9: {  	[smem:$0x3FAA] =	sst s1  }
0xa: {  	[smem:$0x3FAB] =	sst s2  }
0xb: {  	[smem:$0x3FAC] =	sst s3  }
0xc: {  	[smem:$0x3FAD] =	sst s4  }
0xd: {  	[smem:$0x3FAE] =	sst s5  }
0xe: {  	[smem:$0x3FAF] =	sst s6  }
0xf: {  	[smem:$0x3FB0] =	sst s7  }
0x10: {  	[smem:$0x3FB1] =	sst s8  }
0x11: {  	[smem:$0x3FB2] =	sst s9;
	s0 =	simm.s32 @!p0 $0x0  }
0x12: {  	s1 =	sld [smem:$0x3F98];
	s0 =	simm.s32 @p0 $0x1  }
0x13: {  	[smem:$0x3FB3] =	sst s0;
	s0 =	simm.s32 @!p1 $0x0  }
0x14: {  	s2 =	sld [smem:$0x3F97];
	s0 =	simm.s32 @p1 $0x1  }
0x15: {  	[smem:$0x3FB4] =	sst s0;
	s0 =	simm.s32 @!p2 $0x0  }
0x16: {  	s3 =	sld [smem:$0x3FDB];
	s0 =	simm.s32 @p2 $0x1  }
0x17: {  	s4 =	simm.s32 $0x1BF5;
	[smem:$0x3FB6] =	sst s0  }
0x18: {  	s0 =	sld [smem:$0x3F99];
	_ =	swait.ge [sflag:s4], $0x0  }
0x19: {  	s7 =	sld [smem:$0x3F9A]  }
0x1a: {  	s8 =	sadd.s32 $0xFFFFE003, lr  }
0x1b: {  	s9 =	sadd.s32 $0xFFFFFEF7, lr;
	s5 =	simm.s32 $0xFFFFFFFF;
	p2 =	slt.u32 s8, $0xFFFFF086  }
0x1c: {  	p1 =	slt.u32 s9, $0xF7A;
	s5 =	simm.s32 @!p2 $0x0  }
0x1d: {  	s5 =	simm.s32 @p1 $0x1;
	p0 =	seq.s32 s7, s2  }
0x1e: {  	s7 =	smul.u32 @!p0 $0xF7A, s2;
	p2 =	seq.s32 @!p0 s5, $0x0  }
0x1f: {  	s9 =	smul.u32 $0xF7A, s1;
	s8 =	simm.s32 @!p0 $0x1BF5;
	p2 =	por !p2, p0  }
0x20: {  	[sflag:s8] =	ssyncset.s32 @!p0 $0xFFFFF086;
	s6 =	sadd.s32 @!p0 s3, s7;
	s7 =	simm.s32 @!p0 $0x108  }
0x21: {  	s3 =	sadd.s32 s3, s9;
	s6 =	sadd.s32 @!p0 $0x88, s6;
	s7 =	simm.s32 @p2 $0x1082  }
0x22: {  	[simem:s7], [sflag:s8] =	dma.local @!p0 [hbm:s6], $0xF7A  }
0x23: {  	s9 =	sor.u32 $0xD0000000, s2;
	s6 =	simm.s32 $0x108;
	_ =	swait.ge @!p0 [sflag:s8], $0x0  }
0x24: {  	s3 =	sadd.s32 $0x88, s3;
	s6 =	simm.s32 @!p1 $0x1082;
	[sflag:s4] =	ssyncset.s32 $0xFFFFF086  }
0x25: {  	[simem:s6], [sflag:s4] =	dma.local [hbm:s3], $0xF7A  }
0x26: {  	[smem:$0x3F9A] =	sst s1;
	(tag) =	ssettag s2;
	_ =	strace s9  }
0x27: {  	s1 =	sld [smem:$0x3FAA]  }
0x28: {  	s2 =	sld [smem:$0x3FAB]  }
0x29: {  	s4 =	sld [smem:$0x3FAD]  }
0x2a: {  	p0 =	seq.s32 s5, $0x0;
	s5 =	sld [smem:$0x3FAE]  }
0x2b: {  	s6 =	sld [smem:$0x3FAF]  }
0x2c: {  	s7 =	sld [smem:$0x3FB0]  }
0x2d: {  	s3 =	simm.s32 $0x108;
	s8 =	sld [smem:$0x3FB1]  }
0x2e: {  	s3 =	simm.s32 @!p0 $0x1082;
	s9 =	sld [smem:$0x3FB2]  }
0x2f: {  	lr =	sadd.s32 s0, s3;
	s0 =	sld [smem:$0x3FA9]  }
0x30: {  	s3 =	sld [smem:$0x3FAC]  }
0x31: {  	[smem:$0x3FB5] =	sst s10  }
0x32: {  	s10 =	sld [smem:$0x3FB3];
	_ =	sdelay $0x3  }
0x33: {  	p0 =	seq.s32 s10, $0x1;
	s10 =	sld [smem:$0x3FB5];
	_ =	sdelay $0x3  }
0x34: {  	[smem:$0x3FB5] =	sst s10  }
0x35: {  	s10 =	sld [smem:$0x3FB4];
	_ =	sdelay $0x3  }
0x36: {  	p1 =	seq.s32 s10, $0x1;
	s10 =	sld [smem:$0x3FB5];
	_ =	sdelay $0x3  }
0x37: {  	[smem:$0x3FB5] =	sst s10  }
0x38: {  	s10 =	sld [smem:$0x3FB6]  }
0x39: {  	_ = 	snop;
	(pc) =	sbr.ind lr, $3  }
0x3a: {  	_ = 	snop  }
0x3b: {  	_ = 	snop  }
0x3c: {  	p2 =	seq.s32 s10, $0x1;
	s10 =	sld [smem:$0x3FB5]  }
0x3d: {  	_ =	shalt  }
0x3e: {  	_ =	shalt  }
0x3f: {  	_ =	shalt  }
0x40: {  	_ =	shalt  }
0x41: {  	_ =	shalt  }
0x42: {  	_ =	shalt  }
0x43: {  	_ =	shalt  }
0x44: {  	_ =	shalt  }
0x45: {  	_ =	shalt  }
0x46: {  	_ =	shalt  }
0x47: {  	_ =	shalt  }
0x48: {  	_ =	shalt  }
0x49: {  	_ =	shalt  }
0x4a: {  	_ =	shalt  }
0x4b: {  	_ =	shalt  }
0x4c: {  	_ =	shalt  }
0x4d: {  	_ =	shalt  }
0x4e: {  	_ =	shalt  }
0x4f: {  	_ =	shalt  }
0x50: {  	_ =	shalt  }
0x51: {  	_ =	shalt  }
0x52: {  	_ =	shalt  }
0x53: {  	_ =	shalt  }
0x54: {  	_ =	shalt  }
0x55: {  	_ =	shalt  }
0x56: {  	_ =	shalt  }
0x57: {  	_ =	shalt  }
0x58: {  	_ =	shalt  }
0x59: {  	_ =	shalt  }
0x5a: {  	_ =	shalt  }
0x5b: {  	_ =	shalt  }
0x5c: {  	_ =	shalt  }
0x5d: {  	_ =	shalt  }
0x5e: {  	_ =	shalt  }
0x5f: {  	_ =	shalt  }
0x60: {  	_ =	shalt  }
0x61: {  	_ =	shalt  }
0x62: {  	_ =	shalt  }
0x63: {  	_ =	shalt  }
0x64: {  	_ =	shalt  }
0x65: {  	_ =	shalt  }
0x66: {  	_ =	shalt  }
0x67: {  	_ =	shalt  }
0x68: {  	_ =	shalt  }
0x69: {  	_ =	shalt  }
0x6a: {  	_ =	shalt  }
0x6b: {  	_ =	shalt  }
0x6c: {  	_ =	shalt  }
0x6d: {  	_ =	shalt  }
0x6e: {  	_ =	shalt  }
0x6f: {  	_ =	shalt  }
0x70: {  	_ =	shalt  }
0x71: {  	_ =	shalt  }
0x72: {  	_ =	shalt  }
0x73: {  	_ =	shalt  }
0x74: {  	_ =	shalt  }
0x75: {  	_ =	shalt  }
0x76: {  	_ =	shalt  }
0x77: {  	_ =	shalt  }
0x78: {  	_ =	shalt  }
0x79: {  	_ =	shalt  }
0x7a: {  	_ =	shalt  }
0x7b: {  	_ =	shalt  }
0x7c: {  	_ =	shalt  }
0x7d: {  	_ =	shalt  }
0x7e: {  	_ =	shalt  }
0x7f: {  	_ =	shalt  }
0x80: {  	_ =	shalt  }
0x81: {  	_ =	shalt  }
0x82: {  	_ =	shalt  }
0x83: {  	_ =	shalt  }
0x84: {  	_ =	shalt  }
0x85: {  	_ =	shalt  }
0x86: {  	_ =	shalt  }
0x87: {  	_ =	shalt  }
.Lfunc_end0:
.L_simem_size_0:
called_computation_lowered:
.L_overlay_start_0:
0x88: {  	s2 =	sld [smem:$0x3FD9]  }
0x89: {  	s3 =	sld [smem:$0x3FFE];
	_ =	sdelay $0x1  }
0x8a: {  	s1 =	srdreg.scid  }
0x8b: {  	s0 =	sand.u32 $0x1, s1  }
0x8c: {  	s17 =	sshll.u32 s0, $0xA;
	s2 =	sadd.s32 s3, s2  }
0x8d: {  	s2 =	sadd.s32 s2, s17  }
0x8e: {  	[smem:$0x3FC1] =	sst s2  }
0x8f: {  	_ = 	snop  }
0x90: {  	s2 =	sld [smem:$0x3FC7];
	(tm) =	ssettm $0x1  }
0x91: {  	s18 =	sld [smem:$0x3FFB];
	_ =	sdelay $0x3  }
0x92: {  	_ =	strace s18  }
0x93: {  	s3 =	sld [smem:$0x3FFC];
	_ =	sdelay $0x3  }
0x94: {  	_ =	strace s3  }
0x95: {  	s3 =	sld [smem:$0x3FFD];
	_ =	sdelay $0x3  }
0x96: {  	_ =	strace s3  }
0x97: {  	_ =	strace $0x8FFFFFFF  }
0x98: {  	s19 =	sld [smem:$0x3FDB];
	_ =	sdelay $0x1  }
0x99: {  	s4 =	simm.s32 $_scs_section_size  }
0x9a: {  	s5 =	simm.s32 $_size__tile_overlayer_lowered;
	s6 =	simm.s32 $_tile_overlayer_lowered  }
0x9b: {  	s22 =	simm.s32 $0x1BFF;
	s21 =	sshll.u32 s6, $0x1;
	s3 =	sadd.s32 s4, s19  }
0x9c: {  	s7 =	simm.s32 $0x0;
	s20 =	sshll.u32 s5, $0x1;
	s5 =	sadd.s32 s21, s3  }
0x9d: {  	[timem:s7], [sflag:s22] =	dma.local [hbm:s5], s20  }
0x9e: {  	_ =	swait.ge [sflag:s22], s20  }
0x9f: {  	s4 =	ssub.s32 $0x0, s20;
	[sflag:s22] =	ssyncset.done $0x0  }
0xa0: {  	[sflag:s22] =	ssyncadd.s32 s4;
	_ =	sdelay $0x1  }
0xa1: {  	s23 =	simm.s32 $0x1B8B  }
0xa2: {  	_ =	swait.ge [sflag:s23], $0x1  }
0xa3: {  	[sflag:s23] =	ssyncset.done $0x0  }
0xa4: {  	s25 =	simm.s32 $0x1B8E;
	s24 =	sld [smem:$0x3FFE];
	[sflag:s23] =	ssyncadd.s32 $0xFFFFFFFF  }
0xa5: {  	s26 =	simm.s32 $execute0_lowered;
	[smem:$0x3FD2] =	sst s25  }
0xa6: {  	s5 =	sshll.u32 s26, $0x1;
	_ =	strace $0x80000046;
	[dreg:$0x1] =	wrdreg $0xFFFFFFFF  }
0xa7: {  	s28 =	simm.s32 $_size_execute0_lowered;
	s3 =	sadd.s32 s3, s5;
	[dreg:$0x0] =	wrdreg $0x0  }
0xa8: {  	s5 =	sshll.u32 s28, $0x1;
	[dreg:$0x2] =	wrdreg s3  }
0xa9: {  	[dreg:$0x3] =	wrdreg s5  }
0xaa: {  	[dreg:$0x4] =	wrdreg $0xC0  }
0xab: {  	_ =	task [dreg:s7], $0x5FFFF  }
0xac: {  	[dreg:$0x1] =	wrdreg $0xFFFFFFFF  }
0xad: {  	[dreg:$0x0] =	wrdreg $0x60  }
0xae: {  	[dreg:$0x2] =	wrdreg s24  }
0xaf: {  	[dreg:$0x3] =	wrdreg s2  }
0xb0: {  	[dreg:$0x4] =	wrdreg $0x9  }
0xb1: {  	_ =	task.clear_ibuf [dreg:s7], $0x5FFFF;
	_ =	strace $0x90000046  }
0xb2: {  	s29 =	simm.s32 $0x9;
	_ =	strace $0x80000048  }
0xb3: {  	_ =	swait.ge [sflag:s29], $0x1  }
0xb4: {  	[sflag:s29] =	ssyncadd.s32 $0xFFFFFFFF  }
0xb5: {  	_ =	strace $0x90000048  }
0xb6: {  	_ =	sfence  }
0xb7: {  	s30 =	sld [smem:$0x0];
	_ =	sdelay $0x2  }
0xb8: {  	s31 =	sshll.u32 s1, $0xD;
	s1 =	sshrl.u32 s1, $0x2  }
0xb9: {  	s3 =	sand.u32 $0x4000, s31;
	s1 =	sadd.s32 s1, s30  }
0xba: {  	s0 =	sor.u32 s3, s0;
	s1 =	sshll.u32 s1, $0x11  }
0xbb: {  	s0 =	sor.u32 s1, s0  }
0xbc: {  	s0 =	sadd.s32 $0x8F2B, s0  }
0xbd: {  	[sflag:s0] =	ssyncadd.remote.s32 $0x1  }
0xbe: {  	_ =	sfence.sel $0xFFFF  }
0xbf: {  	[dreg:$0x0] =	wrdreg $0xFFFFFFFF;
	(pc) =	sbr.abs _section_cstart, $3  }
0xc0: {  	[dreg:$0x1] =	wrdreg $0xFFFFFFFF  }
0xc1: {  	_ =	task.clear_ibuf [dreg:s7], $0x2FFFF;
	_ =	strace $0x9FFFFFFF  }
0xc2: {  	(tm) =	ssettm $0x7FFFFFFF  }
0xc3: {  	_ =	shalt  }
tec
execute0_lowered:
.L_overlay_start_1:
0x0: {  	(tag) =	ssettag $0x1  }
0x1: {  	s0 =	rddreg [dreg:$0x0];
	s1 =	srdreg.scid  }
0x2: {  	s2 =	stileid.u32;
	s3 =	rddreg [dreg:$0x1];
	s28 =	simm.s32 $0x1CF70  }
0x3: {  	s29 =	simm.s32 $0x1D740;
	s1 =	sand.u32 $0x1, s1;
	s4 =	sshll.u32 s2, $0x1  }
0x4: {  	s30 =	simm.s32 $0x1DF10;
	s31 =	simm.s32 $0x16800;
	s4 =	sor.u32 s1, s4  }
0x5: {  	s2 =	simm.s32 $0x0;
	s6 =	sadd.s32 $0x14A00, s0;
	s5 =	smul.u32 $0x5000, s4  }
0x6: {  	s18 =	sadd.s32 $0x1000, s0;
	[smem:$0x7FF] =	sst s2;
	s4 =	smul.u32 $0x2710, s4  }
0x7: {  	s1 =	ssub.s32 $0x2, s1;
	_ =	strace $0x80000047;
	[dreg:$0x3] =	wrdreg s6  }
0x8: {  	s7 =	sshrl.u32 s1, $0x1;
	s5 =	sshrl.u32 s5, $0x3;
	s8 =	sshrl.u32 s4, $0x3  }
0x9: {  	s1 =	ssub.s32 s1, s7;
	s0 =	sadd.s32 s5, s0;
	s4 =	sadd.s32 s18, s8  }
0xa: {  	s20 =	sadd.s32 s3, s8;
	s21 =	sadd.s32 $0xFA, s8;
	s24 =	sadd.s32 $0x1F4, s8  }
0xb: {  	s25 =	sadd.s32 $0x2EE, s8;
	s26 =	sadd.s32 $0x3E8, s8;
	s19 =	sadd.s32 $0x9C40, s4  }
0xc: {  	[dreg:$0x5] =	wrdreg s20;
	s22 =	sadd.s32 s18, s21;
	s23 =	sadd.s32 $0x9D3A, s4  }
0xd: {  	s9 =	sadd.s32 s3, s21;
	s10 =	sadd.s32 s18, s24;
	s11 =	sadd.s32 $0x9E34, s4  }
0xe: {  	s12 =	sadd.s32 s3, s24;
	s13 =	sadd.s32 s18, s25;
	s14 =	sadd.s32 $0x9F2E, s4  }
0xf: {  	s15 =	sadd.s32 s3, s25;
	s16 =	sadd.s32 s18, s26;
	s17 =	sadd.s32 $0xA028, s4  }
0x10: {  	s18 =	sadd.s32 s3, s26;
	s20 =	sadd.s32 $0x17D00, s0;
	s21 =	smax.u32 s1, $0x1  }
0x11: {  	s24 =	simm.s32 $0x1C7A0;
	s25 =	simm.s32 $0x3;
	[dreg:$0x4] =	wrdreg s19  }
0x12: {  	s26 =	simm.s32 $0x1;
	s1 =	simm.s32 $0x19000;
	[dreg:$0x6] =	wrdreg s22  }
0x13: {  	s3 =	simm.s32 $0x0;
	[dreg:$0x7] =	wrdreg s23;
	s19 =	sadd.s32 $0x17800, s0  }
0x14: {  	v0 =	vimm.f32 $0.0e+00;
	s22 =	simm.s32 $0x1B800;
	s23 =	simm.s32 $0x1BFD0;
	s0 =	simm.s32 $0x2  }
.LBB2_1:
0x15: {  	[tilespmem:s22], [sflag:$0x1] =	stream.linear.gather [hbm4b:s4+s2], $0x7D0, $0x38;
	[tilespmem:$0x1E6E0] =	vst v63  }
0x16: {  	s5 =	rddreg [dreg:$0x4]  }
0x17: {  	[tilespmem:s23], [sflag:$0x1] =	stream.linear.gather [hbm4b:s5+s2], $0x7D0, $0x38;
	[tilespmem:$0x1E6E0] =	vst v63  }
0x18: {  	s7 =	rddreg [dreg:$0x5]  }
0x19: {  	[tilespmem:s24], [sflag:$0x1] =	stream.linear.gather [hbm4b:s7+s2], $0x7D0, $0x38;
	[tilespmem:$0x1E6E0] =	vst v63  }
0x1a: {  	s8 =	rddreg [dreg:$0x3];
	s5 =	simm.s32 $0x16820  }
0x1b: {  	[tilespmem:s2], [sflag:$0x3] =	stream.linear.gather [hbm4b:s8+s2], $0x16800, $0x38;
	[tilespmem:$0x1E6E0] =	vst v63  }
0x1c: {  	[tilespmem:s5+$0xFFFFFFF0] =	vst v0  }
0x1d: {  	[tilespmem:s5+$0xFFFFFFE0] =	vst v0  }
0x1e: {  	[tilespmem:s5+$0x0] =	vst v0  }
0x1f: {  	s6 =	simm.s32 $0x19020;
	[tilespmem:s5+$0x10] =	vst v0  }
0x20: {  	[tilespmem:s6+$0xFFFFFFE0] =	vst v0  }
0x21: {  	[tilespmem:s6+$0x10] =	vst v0  }
0x22: {  	s7 =	simm.s32 $0x0;
	[tilespmem:s6+$0x0] =	vst v0  }
.LBB2_2:
0x23: {  	s7 =	sadd.s32 $0x4, s7;
	[tilespmem:s6+$0xFFFFFFF0] =	vst v0;
	s5 =	sadd.s32 $0x40, s5;
	s6 =	sadd.s32 $0x40, s6  }
0x24: {  	[tilespmem:s5+$0xFFFFFFF0] =	vst v0;
	p0 =	slt.u32 s7, $0x27C  }
0x25: {  	[tilespmem:s5+$0xFFFFFFE0] =	vst v0  }
.Ltmp0:
0x26: {  	[tilespmem:s6+$0xFFFFFFE0] =	vst v0;
	(pc) =	sbr.rel @p0 .LBB2_2-.Ltmp0, $4  }
0x27: {  	[tilespmem:s5+$0x0] =	vst v0  }
0x28: {  	[tilespmem:s5+$0x10] =	vst v0  }
0x29: {  	[tilespmem:s6+$0x10] =	vst v0  }
0x2a: {  	[tilespmem:s6+$0x0] =	vst v0  }
0x2b: {  	[tilespmem:s6+$0xFFFFFFF0] =	vst v0  }
0x2c: {  	_ =	swait.ge [sflag:s25], $0x16800  }
0x2d: {  	[sflag:s25] =	ssyncset.done $0x0  }
0x2e: {  	[sflag:s25] =	ssyncadd.s32 $0xFFFE9800  }
0x2f: {  	_ =	swait.ge [sflag:s26], $0x7D0  }
0x30: {  	[sflag:s26] =	ssyncset.done $0x0  }
0x31: {  	[sflag:s26] =	ssyncadd.s32 $0xFFFFF830  }
0x32: {  	_ =	swait.ge [sflag:s26], $0x7D0  }
0x33: {  	[sflag:s26] =	ssyncset.done $0x0  }
0x34: {  	[sflag:s26] =	ssyncadd.s32 $0xFFFFF830  }
0x35: {  	_ =	swait.ge [sflag:s26], $0x7D0  }
0x36: {  	[sflag:s26] =	ssyncset.done $0x0  }
0x37: {  	s5 =	rddreg [dreg:$0x6];
	[sflag:s26] =	ssyncadd.s32 $0xFFFFF830  }
0x38: {  	[tilespmem:s28], [sflag:$0x2] =	stream.linear.gather [hbm4b:s5+s2], $0x7D0, $0x38;
	[tilespmem:$0x1E6E0] =	vst v63  }
0x39: {  	s7 =	rddreg [dreg:$0x7]  }
0x3a: {  	[tilespmem:s29], [sflag:$0x2] =	stream.linear.gather [hbm4b:s7+s2], $0x7D0, $0x38;
	[tilespmem:$0x1E6E0] =	vst v63  }
0x3b: {  	s8 =	simm.s32 $0x1C7C0  }
0x3c: {  	[tilespmem:s30], [sflag:$0x2] =	stream.linear.gather [hbm4b:s9+s2], $0x7D0, $0x38;
	[tilespmem:$0x1E6E0] =	vst v63  }
0x3d: {  	v1 =	vld [tilespmem:s8+$0x10]  }
0x3e: {  	s5 =	simm.s32 $0x1B820;
	v2 =	vld [tilespmem:s8+$0xFFFFFFE0]  }
0x3f: {  	v3 =	vld [tilespmem:s5+$0x10]  }
0x40: {  	v4 =	vld [tilespmem:s8+$0xFFFFFFF0]  }
0x41: {  	v5 =	vld [tilespmem:s8+$0x0]  }
0x42: {  	v6 =	vld [tilespmem:s5+$0xFFFFFFF0]  }
0x43: {  	v7 =	vld [tilespmem:s5+$0x0];
	v1 =	vmul.u32 $0x2800, v1  }
0x44: {  	v8 =	vld [tilespmem:s5+$0xFFFFFFE0]  }
0x45: {  	v1 =	vadd.s32 v3, v1;
	v3 =	vmul.u32 $0x2800, v4  }
0x46: {  	v4 =	vmul.u32 $0x2800, v5  }
0x47: {  	s6 =	simm.s32 $0x1BFF0;
	v2 =	vmul.u32 $0x2800, v2;
	v3 =	vadd.s32 v6, v3  }
0x48: {  	v5 =	vld [tilespmem:s6+$0x10];
	v4 =	vadd.s32 v7, v4  }
0x49: {  	v6 =	vadd.s32 v8, v2;
	v8 =	vld [tilespmem:s6+$0xFFFFFFF0]  }
0x4a: {  	v7 =	vld.idx.msk [tilespmem:v1+s2+$0x0], $0xffff  }
0x4b: {  	v2 =	vld [tilespmem:s6+$0xFFFFFFE0]  }
0x4c: {  	v3 =	vld.idx.msk [tilespmem:v3+s2+$0x0], $0xffff  }
0x4d: {  	v9 =	vld.idx.msk [tilespmem:v4+s2+$0x0], $0xffff  }
0x4e: {  	v10 =	vld.idx.msk [tilespmem:v6+s2+$0x0], $0xffff  }
0x4f: {  	v1 =	vld [tilespmem:s6+$0x0];
	v4 =	vshll.u32 v7, $0x10  }
0x50: {  	v6 =	vand.u32 $0xFFFF0000, v7;
	[tilespmem:v5+s31+$0x0] =	vst.idx.add.f32.msk $0xffff, v4  }
0x51: {  	[tilespmem:v5+s1+$0x0] =	vst.idx.add.f32.msk $0xffff, v6;
	v4 =	vshll.u32 v3, $0x10  }
0x52: {  	v7 =	vand.u32 $0xFFFF0000, v3;
	v3 =	vand.u32 $0xFFFF0000, v9;
	[tilespmem:v8+s31+$0x0] =	vst.idx.add.f32.msk $0xffff, v4  }
0x53: {  	s7 =	simm.s32 $0x0;
	s8 =	simm.s32 $0x1C800;
	v6 =	vshll.u32 v10, $0x10;
	v5 =	vand.u32 $0xFFFF0000, v10;
	v4 =	vshll.u32 v9, $0x10;
	[tilespmem:v8+s1+$0x0] =	vst.idx.add.f32.msk $0xffff, v7  }
.LBB2_4:
0x54: {  	v7 =	vld [tilespmem:s8+$0x10]  }
0x55: {  	s7 =	sadd.s32 $0x4, s7;
	s5 =	sadd.s32 $0x40, s5;
	v8 =	vld [tilespmem:s8+$0xFFFFFFE0]  }
0x56: {  	p0 =	slt.u32 s7, $0x78;
	v9 =	vld [tilespmem:s5+$0x10]  }
0x57: {  	v10 =	vld [tilespmem:s8+$0xFFFFFFF0]  }
0x58: {  	v11 =	vld [tilespmem:s8+$0x0]  }
0x59: {  	v12 =	vld [tilespmem:s5+$0xFFFFFFF0];
	v7 =	vmul.u32 $0x2800, v7  }
0x5a: {  	v8 =	vmul.u32 $0x2800, v8;
	v13 =	vld [tilespmem:s5+$0x0]  }
0x5b: {  	v14 =	vld [tilespmem:s5+$0xFFFFFFE0];
	v7 =	vadd.s32 v9, v7  }
0x5c: {  	v9 =	vmul.u32 $0x2800, v10;
	[tilespmem:v2+s31+$0x0] =	vst.idx.add.f32.msk $0xffff, v6  }
0x5d: {  	v6 =	vmul.u32 $0x2800, v11;
	[tilespmem:v2+s1+$0x0] =	vst.idx.add.f32.msk $0xffff, v5  }
0x5e: {  	s6 =	sadd.s32 $0x40, s6;
	v5 =	vadd.s32 v12, v9;
	[tilespmem:v1+s31+$0x0] =	vst.idx.add.f32.msk $0xffff, v4  }
0x5f: {  	v4 =	vadd.s32 v13, v6;
	v6 =	vld [tilespmem:s6+$0x10]  }
0x60: {  	v8 =	vadd.s32 v14, v8;
	v7 =	vld.idx.msk [tilespmem:v7+s2+$0x0], $0xffff  }
0x61: {  	v2 =	vld [tilespmem:s6+$0xFFFFFFE0]  }
0x62: {  	v9 =	vld [tilespmem:s6+$0xFFFFFFF0]  }
0x63: {  	v5 =	vld.idx.msk [tilespmem:v5+s2+$0x0], $0xffff  }
0x64: {  	v10 =	vld.idx.msk [tilespmem:v4+s2+$0x0], $0xffff  }
0x65: {  	v8 =	vld.idx.msk [tilespmem:v8+s2+$0x0], $0xffff  }
0x66: {  	v4 =	vshll.u32 v7, $0x10;
	v11 =	vld [tilespmem:s6+$0x0]  }
.Ltmp1:
0x67: {  	v7 =	vand.u32 $0xFFFF0000, v7;
	[tilespmem:v6+s31+$0x0] =	vst.idx.add.f32.msk $0xffff, v4;
	(pc) =	sbr.rel @p0 .LBB2_4-.Ltmp1, $4  }
0x68: {  	[tilespmem:v6+s1+$0x0] =	vst.idx.add.f32.msk $0xffff, v7  }
0x69: {  	v4 =	vshll.u32 v5, $0x10;
	v7 =	vand.u32 $0xFFFF0000, v5;
	[tilespmem:v1+s1+$0x0] =	vst.idx.add.f32.msk $0xffff, v3  }
0x6a: {  	v3 =	vand.u32 $0xFFFF0000, v10;
	[tilespmem:v9+s31+$0x0] =	vst.idx.add.f32.msk $0xffff, v4;
	v4 =	vshll.u32 v10, $0x10  }
0x6b: {  	s8 =	sadd.s32 $0x40, s8;
	v6 =	vshll.u32 v8, $0x10;
	v5 =	vand.u32 $0xFFFF0000, v8;
	[tilespmem:v9+s1+$0x0] =	vst.idx.add.f32.msk $0xffff, v7;
	v1 =	vmov v11  }
0x6c: {  	_ =	sdelay $0x3  }
0x6d: {  	[tilespmem:v2+s31+$0x0] =	vst.idx.add.f32.msk $0xffff, v6  }
0x6e: {  	[tilespmem:v1+s31+$0x0] =	vst.idx.add.f32.msk $0xffff, v4  }
0x6f: {  	[tilespmem:v2+s1+$0x0] =	vst.idx.add.f32.msk $0xffff, v5  }
0x70: {  	[tilespmem:v1+s1+$0x0] =	vst.idx.add.f32.msk $0xffff, v3  }
0x71: {  	v1 =	vld [tilespmem:$0x1CF60];
	_ =	sdelay $0x1  }
0x72: {  	v2 =	vld [tilespmem:$0x1BFC0];
	_ =	sdelay $0x2  }
0x73: {  	v1 =	vmul.u32 $0x2800, v1;
	_ =	sdelay $0x1  }
0x74: {  	v1 =	vadd.s32 v2, v1;
	_ =	sdelay $0x2  }
0x75: {  	v2 =	vld [tilespmem:$0x1C790];
	_ =	sdelay $0x1  }
0x76: {  	v1 =	vld.idx.msk [tilespmem:v1+s2+$0x0], $0xffff;
	_ =	sdelay $0x4  }
0x77: {  	v3 =	vshll.u32 v1, $0x10  }
0x78: {  	v1 =	vand.u32 $0xFFFF0000, v1;
	[tilespmem:v2+s31+$0x0] =	vst.idx.add.f32.msk $0xffff, v3  }
0x79: {  	[tilespmem:v2+s1+$0x0] =	vst.idx.add.f32.msk $0xffff, v1  }
0x7a: {  	_ =	swait.ge [sflag:s0], $0x7D0  }
0x7b: {  	[sflag:s0] =	ssyncset.done $0x0  }
0x7c: {  	[sflag:s0] =	ssyncadd.s32 $0xFFFFF830  }
0x7d: {  	_ =	swait.ge [sflag:s0], $0x7D0  }
0x7e: {  	[sflag:s0] =	ssyncset.done $0x0  }
0x7f: {  	[sflag:s0] =	ssyncadd.s32 $0xFFFFF830  }
0x80: {  	_ =	swait.ge [sflag:s0], $0x7D0  }
0x81: {  	[sflag:s0] =	ssyncset.done $0x0  }
0x82: {  	[sflag:s0] =	ssyncadd.s32 $0xFFFFF830  }
0x83: {  	[tilespmem:s22], [sflag:$0x1] =	stream.linear.gather [hbm4b:s10+s2], $0x7D0, $0x38;
	[tilespmem:$0x1E6E0] =	vst v63  }
0x84: {  	_ = 	snop  }
0x85: {  	[tilespmem:s23], [sflag:$0x1] =	stream.linear.gather [hbm4b:s11+s2], $0x7D0, $0x38;
	[tilespmem:$0x1E6E0] =	vst v63  }
0x86: {  	s6 =	simm.s32 $0x1DF30  }
0x87: {  	[tilespmem:s24], [sflag:$0x1] =	stream.linear.gather [hbm4b:s12+s2], $0x7D0, $0x38;
	[tilespmem:$0x1E6E0] =	vst v63  }
0x88: {  	v1 =	vld [tilespmem:s6+$0x10]  }
0x89: {  	s5 =	simm.s32 $0x1CF90;
	v2 =	vld [tilespmem:s6+$0xFFFFFFE0]  }
0x8a: {  	v3 =	vld [tilespmem:s5+$0x10]  }
0x8b: {  	v4 =	vld [tilespmem:s6+$0xFFFFFFF0]  }
0x8c: {  	v5 =	vld [tilespmem:s6+$0x0]  }
0x8d: {  	v6 =	vld [tilespmem:s5+$0xFFFFFFF0]  }
0x8e: {  	v7 =	vld [tilespmem:s5+$0x0];
	v1 =	vmul.u32 $0x2800, v1  }
0x8f: {  	v8 =	vld [tilespmem:s5+$0xFFFFFFE0]  }
0x90: {  	v1 =	vadd.s32 v3, v1;
	v3 =	vmul.u32 $0x2800, v4  }
0x91: {  	v4 =	vmul.u32 $0x2800, v5  }
0x92: {  	s6 =	simm.s32 $0x1D760;
	v2 =	vmul.u32 $0x2800, v2;
	v3 =	vadd.s32 v6, v3  }
0x93: {  	v5 =	vld [tilespmem:s6+$0x10];
	v4 =	vadd.s32 v7, v4  }
0x94: {  	v6 =	vadd.s32 v8, v2;
	v8 =	vld [tilespmem:s6+$0xFFFFFFF0]  }
0x95: {  	v7 =	vld.idx.msk [tilespmem:v1+s2+$0x0], $0xffff  }
0x96: {  	v2 =	vld [tilespmem:s6+$0xFFFFFFE0]  }
0x97: {  	v3 =	vld.idx.msk [tilespmem:v3+s2+$0x0], $0xffff  }
0x98: {  	v9 =	vld.idx.msk [tilespmem:v4+s2+$0x0], $0xffff  }
0x99: {  	v10 =	vld.idx.msk [tilespmem:v6+s2+$0x0], $0xffff  }
0x9a: {  	v1 =	vld [tilespmem:s6+$0x0];
	v4 =	vshll.u32 v7, $0x10  }
0x9b: {  	v6 =	vand.u32 $0xFFFF0000, v7;
	[tilespmem:v5+s31+$0x0] =	vst.idx.add.f32.msk $0xffff, v4  }
0x9c: {  	[tilespmem:v5+s1+$0x0] =	vst.idx.add.f32.msk $0xffff, v6;
	v4 =	vshll.u32 v3, $0x10  }
0x9d: {  	v7 =	vand.u32 $0xFFFF0000, v3;
	v3 =	vand.u32 $0xFFFF0000, v9;
	[tilespmem:v8+s31+$0x0] =	vst.idx.add.f32.msk $0xffff, v4  }
0x9e: {  	s7 =	simm.s32 $0x0;
	s8 =	simm.s32 $0x1DF70;
	v6 =	vshll.u32 v10, $0x10;
	v5 =	vand.u32 $0xFFFF0000, v10;
	v4 =	vshll.u32 v9, $0x10;
	[tilespmem:v8+s1+$0x0] =	vst.idx.add.f32.msk $0xffff, v7  }
.LBB2_6:
0x9f: {  	v7 =	vld [tilespmem:s8+$0x10]  }
0xa0: {  	s7 =	sadd.s32 $0x4, s7;
	s5 =	sadd.s32 $0x40, s5;
	v8 =	vld [tilespmem:s8+$0xFFFFFFE0]  }
0xa1: {  	p0 =	slt.u32 s7, $0x78;
	v9 =	vld [tilespmem:s5+$0x10]  }
0xa2: {  	v10 =	vld [tilespmem:s8+$0xFFFFFFF0]  }
0xa3: {  	v11 =	vld [tilespmem:s8+$0x0]  }
0xa4: {  	v12 =	vld [tilespmem:s5+$0xFFFFFFF0];
	v7 =	vmul.u32 $0x2800, v7  }
0xa5: {  	v8 =	vmul.u32 $0x2800, v8;
	v13 =	vld [tilespmem:s5+$0x0]  }
0xa6: {  	v14 =	vld [tilespmem:s5+$0xFFFFFFE0];
	v7 =	vadd.s32 v9, v7  }
0xa7: {  	v9 =	vmul.u32 $0x2800, v10;
	[tilespmem:v2+s31+$0x0] =	vst.idx.add.f32.msk $0xffff, v6  }
0xa8: {  	v6 =	vmul.u32 $0x2800, v11;
	[tilespmem:v2+s1+$0x0] =	vst.idx.add.f32.msk $0xffff, v5  }
0xa9: {  	s6 =	sadd.s32 $0x40, s6;
	v5 =	vadd.s32 v12, v9;
	[tilespmem:v1+s31+$0x0] =	vst.idx.add.f32.msk $0xffff, v4  }
0xaa: {  	v4 =	vadd.s32 v13, v6;
	v6 =	vld [tilespmem:s6+$0x10]  }
0xab: {  	v8 =	vadd.s32 v14, v8;
	v7 =	vld.idx.msk [tilespmem:v7+s2+$0x0], $0xffff  }
0xac: {  	v2 =	vld [tilespmem:s6+$0xFFFFFFE0]  }
0xad: {  	v9 =	vld [tilespmem:s6+$0xFFFFFFF0]  }
0xae: {  	v5 =	vld.idx.msk [tilespmem:v5+s2+$0x0], $0xffff  }
0xaf: {  	v10 =	vld.idx.msk [tilespmem:v4+s2+$0x0], $0xffff  }
0xb0: {  	v8 =	vld.idx.msk [tilespmem:v8+s2+$0x0], $0xffff  }
0xb1: {  	v4 =	vshll.u32 v7, $0x10;
	v11 =	vld [tilespmem:s6+$0x0]  }
.Ltmp2:
0xb2: {  	v7 =	vand.u32 $0xFFFF0000, v7;
	[tilespmem:v6+s31+$0x0] =	vst.idx.add.f32.msk $0xffff, v4;
	(pc) =	sbr.rel @p0 .LBB2_6-.Ltmp2, $4  }
0xb3: {  	[tilespmem:v6+s1+$0x0] =	vst.idx.add.f32.msk $0xffff, v7  }
0xb4: {  	v4 =	vshll.u32 v5, $0x10;
	v7 =	vand.u32 $0xFFFF0000, v5;
	[tilespmem:v1+s1+$0x0] =	vst.idx.add.f32.msk $0xffff, v3  }
0xb5: {  	v3 =	vand.u32 $0xFFFF0000, v10;
	[tilespmem:v9+s31+$0x0] =	vst.idx.add.f32.msk $0xffff, v4;
	v4 =	vshll.u32 v10, $0x10  }
0xb6: {  	s8 =	sadd.s32 $0x40, s8;
	v6 =	vshll.u32 v8, $0x10;
	v5 =	vand.u32 $0xFFFF0000, v8;
	[tilespmem:v9+s1+$0x0] =	vst.idx.add.f32.msk $0xffff, v7;
	v1 =	vmov v11  }
0xb7: {  	_ =	sdelay $0x3  }
0xb8: {  	[tilespmem:v2+s31+$0x0] =	vst.idx.add.f32.msk $0xffff, v6  }
0xb9: {  	[tilespmem:v1+s31+$0x0] =	vst.idx.add.f32.msk $0xffff, v4  }
0xba: {  	[tilespmem:v2+s1+$0x0] =	vst.idx.add.f32.msk $0xffff, v5  }
0xbb: {  	[tilespmem:v1+s1+$0x0] =	vst.idx.add.f32.msk $0xffff, v3  }
0xbc: {  	v1 =	vld [tilespmem:$0x1E6D0];
	_ =	sdelay $0x1  }
0xbd: {  	v2 =	vld [tilespmem:$0x1D730];
	_ =	sdelay $0x2  }
0xbe: {  	v1 =	vmul.u32 $0x2800, v1;
	_ =	sdelay $0x1  }
0xbf: {  	v1 =	vadd.s32 v2, v1;
	_ =	sdelay $0x2  }
0xc0: {  	v2 =	vld [tilespmem:$0x1DF00];
	_ =	sdelay $0x1  }
0xc1: {  	v1 =	vld.idx.msk [tilespmem:v1+s2+$0x0], $0xffff;
	_ =	sdelay $0x4  }
0xc2: {  	v3 =	vshll.u32 v1, $0x10  }
0xc3: {  	v1 =	vand.u32 $0xFFFF0000, v1;
	[tilespmem:v2+s31+$0x0] =	vst.idx.add.f32.msk $0xffff, v3  }
0xc4: {  	[tilespmem:v2+s1+$0x0] =	vst.idx.add.f32.msk $0xffff, v1  }
0xc5: {  	_ =	swait.ge [sflag:s26], $0x7D0  }
0xc6: {  	[sflag:s26] =	ssyncset.done $0x0  }
0xc7: {  	[sflag:s26] =	ssyncadd.s32 $0xFFFFF830  }
0xc8: {  	_ =	swait.ge [sflag:s26], $0x7D0  }
0xc9: {  	[sflag:s26] =	ssyncset.done $0x0  }
0xca: {  	[sflag:s26] =	ssyncadd.s32 $0xFFFFF830  }
0xcb: {  	_ =	swait.ge [sflag:s26], $0x7D0  }
0xcc: {  	[sflag:s26] =	ssyncset.done $0x0  }
0xcd: {  	[sflag:s26] =	ssyncadd.s32 $0xFFFFF830  }
0xce: {  	[tilespmem:s28], [sflag:$0x2] =	stream.linear.gather [hbm4b:s13+s2], $0x7D0, $0x38;
	[tilespmem:$0x1E6E0] =	vst v63  }
0xcf: {  	_ = 	snop  }
0xd0: {  	[tilespmem:s29], [sflag:$0x2] =	stream.linear.gather [hbm4b:s14+s2], $0x7D0, $0x38;
	[tilespmem:$0x1E6E0] =	vst v63  }
0xd1: {  	s6 =	simm.s32 $0x1C7C0  }
0xd2: {  	[tilespmem:s30], [sflag:$0x2] =	stream.linear.gather [hbm4b:s15+s2], $0x7D0, $0x38;
	[tilespmem:$0x1E6E0] =	vst v63  }
0xd3: {  	v1 =	vld [tilespmem:s6+$0x10]  }
0xd4: {  	s5 =	simm.s32 $0x1B820;
	v2 =	vld [tilespmem:s6+$0xFFFFFFE0]  }
0xd5: {  	v3 =	vld [tilespmem:s5+$0x10]  }
0xd6: {  	v4 =	vld [tilespmem:s6+$0xFFFFFFF0]  }
0xd7: {  	v5 =	vld [tilespmem:s6+$0x0]  }
0xd8: {  	v6 =	vld [tilespmem:s5+$0xFFFFFFF0]  }
0xd9: {  	v7 =	vld [tilespmem:s5+$0x0];
	v1 =	vmul.u32 $0x2800, v1  }
0xda: {  	v8 =	vld [tilespmem:s5+$0xFFFFFFE0]  }
0xdb: {  	v1 =	vadd.s32 v3, v1;
	v3 =	vmul.u32 $0x2800, v4  }
0xdc: {  	v4 =	vmul.u32 $0x2800, v5  }
0xdd: {  	s6 =	simm.s32 $0x1BFF0;
	v2 =	vmul.u32 $0x2800, v2;
	v3 =	vadd.s32 v6, v3  }
0xde: {  	v5 =	vld [tilespmem:s6+$0x10];
	v4 =	vadd.s32 v7, v4  }
0xdf: {  	v6 =	vadd.s32 v8, v2;
	v8 =	vld [tilespmem:s6+$0xFFFFFFF0]  }
0xe0: {  	v7 =	vld.idx.msk [tilespmem:v1+s2+$0x0], $0xffff  }
0xe1: {  	v2 =	vld [tilespmem:s6+$0xFFFFFFE0]  }
0xe2: {  	v3 =	vld.idx.msk [tilespmem:v3+s2+$0x0], $0xffff  }
0xe3: {  	v9 =	vld.idx.msk [tilespmem:v4+s2+$0x0], $0xffff  }
0xe4: {  	v10 =	vld.idx.msk [tilespmem:v6+s2+$0x0], $0xffff  }
0xe5: {  	v1 =	vld [tilespmem:s6+$0x0];
	v4 =	vshll.u32 v7, $0x10  }
0xe6: {  	v6 =	vand.u32 $0xFFFF0000, v7;
	[tilespmem:v5+s31+$0x0] =	vst.idx.add.f32.msk $0xffff, v4  }
0xe7: {  	[tilespmem:v5+s1+$0x0] =	vst.idx.add.f32.msk $0xffff, v6;
	v4 =	vshll.u32 v3, $0x10  }
0xe8: {  	v7 =	vand.u32 $0xFFFF0000, v3;
	v3 =	vand.u32 $0xFFFF0000, v9;
	[tilespmem:v8+s31+$0x0] =	vst.idx.add.f32.msk $0xffff, v4  }
0xe9: {  	s7 =	simm.s32 $0x0;
	s8 =	simm.s32 $0x1C800;
	v6 =	vshll.u32 v10, $0x10;
	v5 =	vand.u32 $0xFFFF0000, v10;
	v4 =	vshll.u32 v9, $0x10;
	[tilespmem:v8+s1+$0x0] =	vst.idx.add.f32.msk $0xffff, v7  }
.LBB2_8:
0xea: {  	v7 =	vld [tilespmem:s8+$0x10]  }
0xeb: {  	s7 =	sadd.s32 $0x4, s7;
	s5 =	sadd.s32 $0x40, s5;
	v8 =	vld [tilespmem:s8+$0xFFFFFFE0]  }
0xec: {  	p0 =	slt.u32 s7, $0x78;
	v9 =	vld [tilespmem:s5+$0x10]  }
0xed: {  	v10 =	vld [tilespmem:s8+$0xFFFFFFF0]  }
0xee: {  	v11 =	vld [tilespmem:s8+$0x0]  }
0xef: {  	v12 =	vld [tilespmem:s5+$0xFFFFFFF0];
	v7 =	vmul.u32 $0x2800, v7  }
0xf0: {  	v8 =	vmul.u32 $0x2800, v8;
	v13 =	vld [tilespmem:s5+$0x0]  }
0xf1: {  	v14 =	vld [tilespmem:s5+$0xFFFFFFE0];
	v7 =	vadd.s32 v9, v7  }
0xf2: {  	v9 =	vmul.u32 $0x2800, v10;
	[tilespmem:v2+s31+$0x0] =	vst.idx.add.f32.msk $0xffff, v6  }
0xf3: {  	v6 =	vmul.u32 $0x2800, v11;
	[tilespmem:v2+s1+$0x0] =	vst.idx.add.f32.msk $0xffff, v5  }
0xf4: {  	s6 =	sadd.s32 $0x40, s6;
	v5 =	vadd.s32 v12, v9;
	[tilespmem:v1+s31+$0x0] =	vst.idx.add.f32.msk $0xffff, v4  }
0xf5: {  	v4 =	vadd.s32 v13, v6;
	v6 =	vld [tilespmem:s6+$0x10]  }
0xf6: {  	v8 =	vadd.s32 v14, v8;
	v7 =	vld.idx.msk [tilespmem:v7+s2+$0x0], $0xffff  }
0xf7: {  	v2 =	vld [tilespmem:s6+$0xFFFFFFE0]  }
0xf8: {  	v9 =	vld [tilespmem:s6+$0xFFFFFFF0]  }
0xf9: {  	v5 =	vld.idx.msk [tilespmem:v5+s2+$0x0], $0xffff  }
0xfa: {  	v10 =	vld.idx.msk [tilespmem:v4+s2+$0x0], $0xffff  }
0xfb: {  	v8 =	vld.idx.msk [tilespmem:v8+s2+$0x0], $0xffff  }
0xfc: {  	v4 =	vshll.u32 v7, $0x10;
	v11 =	vld [tilespmem:s6+$0x0]  }
.Ltmp3:
0xfd: {  	v7 =	vand.u32 $0xFFFF0000, v7;
	[tilespmem:v6+s31+$0x0] =	vst.idx.add.f32.msk $0xffff, v4;
	(pc) =	sbr.rel @p0 .LBB2_8-.Ltmp3, $4  }
0xfe: {  	[tilespmem:v6+s1+$0x0] =	vst.idx.add.f32.msk $0xffff, v7  }
0xff: {  	v4 =	vshll.u32 v5, $0x10;
	v7 =	vand.u32 $0xFFFF0000, v5;
	[tilespmem:v1+s1+$0x0] =	vst.idx.add.f32.msk $0xffff, v3  }
0x100: {  	v3 =	vand.u32 $0xFFFF0000, v10;
	[tilespmem:v9+s31+$0x0] =	vst.idx.add.f32.msk $0xffff, v4;
	v4 =	vshll.u32 v10, $0x10  }
0x101: {  	s8 =	sadd.s32 $0x40, s8;
	v6 =	vshll.u32 v8, $0x10;
	v5 =	vand.u32 $0xFFFF0000, v8;
	[tilespmem:v9+s1+$0x0] =	vst.idx.add.f32.msk $0xffff, v7;
	v1 =	vmov v11  }
0x102: {  	_ =	sdelay $0x3  }
0x103: {  	[tilespmem:v2+s31+$0x0] =	vst.idx.add.f32.msk $0xffff, v6  }
0x104: {  	[tilespmem:v1+s31+$0x0] =	vst.idx.add.f32.msk $0xffff, v4  }
0x105: {  	[tilespmem:v2+s1+$0x0] =	vst.idx.add.f32.msk $0xffff, v5  }
0x106: {  	[tilespmem:v1+s1+$0x0] =	vst.idx.add.f32.msk $0xffff, v3  }
0x107: {  	v1 =	vld [tilespmem:$0x1CF60];
	_ =	sdelay $0x1  }
0x108: {  	v2 =	vld [tilespmem:$0x1BFC0];
	_ =	sdelay $0x2  }
0x109: {  	v1 =	vmul.u32 $0x2800, v1;
	_ =	sdelay $0x1  }
0x10a: {  	v1 =	vadd.s32 v2, v1;
	_ =	sdelay $0x2  }
0x10b: {  	v2 =	vld [tilespmem:$0x1C790];
	_ =	sdelay $0x1  }
0x10c: {  	v1 =	vld.idx.msk [tilespmem:v1+s2+$0x0], $0xffff;
	_ =	sdelay $0x4  }
0x10d: {  	v3 =	vshll.u32 v1, $0x10  }
0x10e: {  	v1 =	vand.u32 $0xFFFF0000, v1;
	[tilespmem:v2+s31+$0x0] =	vst.idx.add.f32.msk $0xffff, v3  }
0x10f: {  	[tilespmem:v2+s1+$0x0] =	vst.idx.add.f32.msk $0xffff, v1  }
0x110: {  	_ =	swait.ge [sflag:s0], $0x7D0  }
0x111: {  	[sflag:s0] =	ssyncset.done $0x0  }
0x112: {  	[sflag:s0] =	ssyncadd.s32 $0xFFFFF830  }
0x113: {  	_ =	swait.ge [sflag:s0], $0x7D0  }
0x114: {  	[sflag:s0] =	ssyncset.done $0x0  }
0x115: {  	[sflag:s0] =	ssyncadd.s32 $0xFFFFF830  }
0x116: {  	_ =	swait.ge [sflag:s0], $0x7D0  }
0x117: {  	[sflag:s0] =	ssyncset.done $0x0  }
0x118: {  	[sflag:s0] =	ssyncadd.s32 $0xFFFFF830  }
0x119: {  	[tilespmem:s22], [sflag:$0x1] =	stream.linear.gather [hbm4b:s16+s2], $0x7D0, $0x38;
	[tilespmem:$0x1E6E0] =	vst v63  }
0x11a: {  	_ = 	snop  }
0x11b: {  	[tilespmem:s23], [sflag:$0x1] =	stream.linear.gather [hbm4b:s17+s2], $0x7D0, $0x38;
	[tilespmem:$0x1E6E0] =	vst v63  }
0x11c: {  	s6 =	simm.s32 $0x1DF30  }
0x11d: {  	[tilespmem:s24], [sflag:$0x1] =	stream.linear.gather [hbm4b:s18+s2], $0x7D0, $0x38;
	[tilespmem:$0x1E6E0] =	vst v63  }
0x11e: {  	v1 =	vld [tilespmem:s6+$0x10]  }
0x11f: {  	s5 =	simm.s32 $0x1CF90;
	v2 =	vld [tilespmem:s6+$0xFFFFFFE0]  }
0x120: {  	v3 =	vld [tilespmem:s5+$0x10]  }
0x121: {  	v4 =	vld [tilespmem:s6+$0xFFFFFFF0]  }
0x122: {  	v5 =	vld [tilespmem:s6+$0x0]  }
0x123: {  	v6 =	vld [tilespmem:s5+$0xFFFFFFF0]  }
0x124: {  	v7 =	vld [tilespmem:s5+$0x0];
	v1 =	vmul.u32 $0x2800, v1  }
0x125: {  	v8 =	vld [tilespmem:s5+$0xFFFFFFE0]  }
0x126: {  	v1 =	vadd.s32 v3, v1;
	v3 =	vmul.u32 $0x2800, v4  }
0x127: {  	v4 =	vmul.u32 $0x2800, v5  }
0x128: {  	s6 =	simm.s32 $0x1D760;
	v2 =	vmul.u32 $0x2800, v2;
	v3 =	vadd.s32 v6, v3  }
0x129: {  	v5 =	vld [tilespmem:s6+$0x10];
	v4 =	vadd.s32 v7, v4  }
0x12a: {  	v6 =	vadd.s32 v8, v2;
	v8 =	vld [tilespmem:s6+$0xFFFFFFF0]  }
0x12b: {  	v7 =	vld.idx.msk [tilespmem:v1+s2+$0x0], $0xffff  }
0x12c: {  	v2 =	vld [tilespmem:s6+$0xFFFFFFE0]  }
0x12d: {  	v3 =	vld.idx.msk [tilespmem:v3+s2+$0x0], $0xffff  }
0x12e: {  	v9 =	vld.idx.msk [tilespmem:v4+s2+$0x0], $0xffff  }
0x12f: {  	v10 =	vld.idx.msk [tilespmem:v6+s2+$0x0], $0xffff  }
0x130: {  	v1 =	vld [tilespmem:s6+$0x0];
	v4 =	vshll.u32 v7, $0x10  }
0x131: {  	v6 =	vand.u32 $0xFFFF0000, v7;
	[tilespmem:v5+s31+$0x0] =	vst.idx.add.f32.msk $0xffff, v4  }
0x132: {  	[tilespmem:v5+s1+$0x0] =	vst.idx.add.f32.msk $0xffff, v6;
	v4 =	vshll.u32 v3, $0x10  }
0x133: {  	v7 =	vand.u32 $0xFFFF0000, v3;
	v3 =	vand.u32 $0xFFFF0000, v9;
	[tilespmem:v8+s31+$0x0] =	vst.idx.add.f32.msk $0xffff, v4  }
0x134: {  	s7 =	simm.s32 $0x0;
	s8 =	simm.s32 $0x1DF70;
	v6 =	vshll.u32 v10, $0x10;
	v5 =	vand.u32 $0xFFFF0000, v10;
	v4 =	vshll.u32 v9, $0x10;
	[tilespmem:v8+s1+$0x0] =	vst.idx.add.f32.msk $0xffff, v7  }
.LBB2_10:
0x135: {  	v7 =	vld [tilespmem:s8+$0x10]  }
0x136: {  	s7 =	sadd.s32 $0x4, s7;
	s5 =	sadd.s32 $0x40, s5;
	v8 =	vld [tilespmem:s8+$0xFFFFFFE0]  }
0x137: {  	p0 =	slt.u32 s7, $0x78;
	v9 =	vld [tilespmem:s5+$0x10]  }
0x138: {  	v10 =	vld [tilespmem:s8+$0xFFFFFFF0]  }
0x139: {  	v11 =	vld [tilespmem:s8+$0x0]  }
0x13a: {  	v12 =	vld [tilespmem:s5+$0xFFFFFFF0];
	v7 =	vmul.u32 $0x2800, v7  }
0x13b: {  	v8 =	vmul.u32 $0x2800, v8;
	v13 =	vld [tilespmem:s5+$0x0]  }
0x13c: {  	v14 =	vld [tilespmem:s5+$0xFFFFFFE0];
	v7 =	vadd.s32 v9, v7  }
0x13d: {  	v9 =	vmul.u32 $0x2800, v10;
	[tilespmem:v2+s31+$0x0] =	vst.idx.add.f32.msk $0xffff, v6  }
0x13e: {  	v6 =	vmul.u32 $0x2800, v11;
	[tilespmem:v2+s1+$0x0] =	vst.idx.add.f32.msk $0xffff, v5  }
0x13f: {  	s6 =	sadd.s32 $0x40, s6;
	v5 =	vadd.s32 v12, v9;
	[tilespmem:v1+s31+$0x0] =	vst.idx.add.f32.msk $0xffff, v4  }
0x140: {  	v4 =	vadd.s32 v13, v6;
	v6 =	vld [tilespmem:s6+$0x10]  }
0x141: {  	v8 =	vadd.s32 v14, v8;
	v7 =	vld.idx.msk [tilespmem:v7+s2+$0x0], $0xffff  }
0x142: {  	v2 =	vld [tilespmem:s6+$0xFFFFFFE0]  }
0x143: {  	v9 =	vld [tilespmem:s6+$0xFFFFFFF0]  }
0x144: {  	v5 =	vld.idx.msk [tilespmem:v5+s2+$0x0], $0xffff  }
0x145: {  	v10 =	vld.idx.msk [tilespmem:v4+s2+$0x0], $0xffff  }
0x146: {  	v8 =	vld.idx.msk [tilespmem:v8+s2+$0x0], $0xffff  }
0x147: {  	v4 =	vshll.u32 v7, $0x10;
	v11 =	vld [tilespmem:s6+$0x0]  }
.Ltmp4:
0x148: {  	v7 =	vand.u32 $0xFFFF0000, v7;
	[tilespmem:v6+s31+$0x0] =	vst.idx.add.f32.msk $0xffff, v4;
	(pc) =	sbr.rel @p0 .LBB2_10-.Ltmp4, $4  }
0x149: {  	[tilespmem:v6+s1+$0x0] =	vst.idx.add.f32.msk $0xffff, v7  }
0x14a: {  	v4 =	vshll.u32 v5, $0x10;
	v7 =	vand.u32 $0xFFFF0000, v5;
	[tilespmem:v1+s1+$0x0] =	vst.idx.add.f32.msk $0xffff, v3  }
0x14b: {  	v3 =	vand.u32 $0xFFFF0000, v10;
	[tilespmem:v9+s31+$0x0] =	vst.idx.add.f32.msk $0xffff, v4;
	v4 =	vshll.u32 v10, $0x10  }
0x14c: {  	s8 =	sadd.s32 $0x40, s8;
	v6 =	vshll.u32 v8, $0x10;
	v5 =	vand.u32 $0xFFFF0000, v8;
	[tilespmem:v9+s1+$0x0] =	vst.idx.add.f32.msk $0xffff, v7;
	v1 =	vmov v11  }
0x14d: {  	_ =	sdelay $0x3  }
0x14e: {  	[tilespmem:v2+s31+$0x0] =	vst.idx.add.f32.msk $0xffff, v6  }
0x14f: {  	[tilespmem:v1+s31+$0x0] =	vst.idx.add.f32.msk $0xffff, v4  }
0x150: {  	[tilespmem:v2+s1+$0x0] =	vst.idx.add.f32.msk $0xffff, v5  }
0x151: {  	[tilespmem:v1+s1+$0x0] =	vst.idx.add.f32.msk $0xffff, v3  }
0x152: {  	v1 =	vld [tilespmem:$0x1E6D0];
	_ =	sdelay $0x1  }
0x153: {  	v2 =	vld [tilespmem:$0x1D730];
	_ =	sdelay $0x2  }
0x154: {  	v1 =	vmul.u32 $0x2800, v1;
	_ =	sdelay $0x1  }
0x155: {  	v1 =	vadd.s32 v2, v1;
	_ =	sdelay $0x2  }
0x156: {  	v2 =	vld [tilespmem:$0x1DF00];
	_ =	sdelay $0x1  }
0x157: {  	v1 =	vld.idx.msk [tilespmem:v1+s2+$0x0], $0xffff;
	_ =	sdelay $0x4  }
0x158: {  	v3 =	vshll.u32 v1, $0x10  }
0x159: {  	v1 =	vand.u32 $0xFFFF0000, v1;
	[tilespmem:v2+s31+$0x0] =	vst.idx.add.f32.msk $0xffff, v3  }
0x15a: {  	[tilespmem:v2+s1+$0x0] =	vst.idx.add.f32.msk $0xffff, v1  }
0x15b: {  	_ =	swait.ge [sflag:s26], $0x7D0  }
0x15c: {  	[sflag:s26] =	ssyncset.done $0x0  }
0x15d: {  	[sflag:s26] =	ssyncadd.s32 $0xFFFFF830  }
0x15e: {  	_ =	swait.ge [sflag:s26], $0x7D0  }
0x15f: {  	[sflag:s26] =	ssyncset.done $0x0  }
0x160: {  	[sflag:s26] =	ssyncadd.s32 $0xFFFFF830  }
0x161: {  	_ =	swait.ge [sflag:s26], $0x7D0  }
0x162: {  	[sflag:s26] =	ssyncset.done $0x0  }
0x163: {  	s6 =	simm.s32 $0x1C7C0;
	[sflag:s26] =	ssyncadd.s32 $0xFFFFF830  }
0x164: {  	v1 =	vld [tilespmem:s6+$0x10]  }
0x165: {  	s5 =	simm.s32 $0x1B820;
	v2 =	vld [tilespmem:s6+$0xFFFFFFE0]  }
0x166: {  	v3 =	vld [tilespmem:s5+$0x10]  }
0x167: {  	v4 =	vld [tilespmem:s6+$0xFFFFFFF0]  }
0x168: {  	v5 =	vld [tilespmem:s6+$0x0]  }
0x169: {  	v6 =	vld [tilespmem:s5+$0xFFFFFFF0]  }
0x16a: {  	v7 =	vld [tilespmem:s5+$0x0];
	v1 =	vmul.u32 $0x2800, v1  }
0x16b: {  	v8 =	vld [tilespmem:s5+$0xFFFFFFE0]  }
0x16c: {  	v1 =	vadd.s32 v3, v1;
	v3 =	vmul.u32 $0x2800, v4  }
0x16d: {  	v4 =	vmul.u32 $0x2800, v5  }
0x16e: {  	s6 =	simm.s32 $0x1BFF0;
	v2 =	vmul.u32 $0x2800, v2;
	v3 =	vadd.s32 v6, v3  }
0x16f: {  	v5 =	vld [tilespmem:s6+$0x10];
	v4 =	vadd.s32 v7, v4  }
0x170: {  	v6 =	vadd.s32 v8, v2;
	v8 =	vld [tilespmem:s6+$0xFFFFFFF0]  }
0x171: {  	v7 =	vld.idx.msk [tilespmem:v1+s2+$0x0], $0xffff  }
0x172: {  	v2 =	vld [tilespmem:s6+$0xFFFFFFE0]  }
0x173: {  	v3 =	vld.idx.msk [tilespmem:v3+s2+$0x0], $0xffff  }
0x174: {  	v9 =	vld.idx.msk [tilespmem:v4+s2+$0x0], $0xffff  }
0x175: {  	v10 =	vld.idx.msk [tilespmem:v6+s2+$0x0], $0xffff  }
0x176: {  	v1 =	vld [tilespmem:s6+$0x0];
	v4 =	vshll.u32 v7, $0x10  }
0x177: {  	v6 =	vand.u32 $0xFFFF0000, v7;
	[tilespmem:v5+s31+$0x0] =	vst.idx.add.f32.msk $0xffff, v4  }
0x178: {  	[tilespmem:v5+s1+$0x0] =	vst.idx.add.f32.msk $0xffff, v6;
	v4 =	vshll.u32 v3, $0x10  }
0x179: {  	v7 =	vand.u32 $0xFFFF0000, v3;
	v3 =	vand.u32 $0xFFFF0000, v9;
	[tilespmem:v8+s31+$0x0] =	vst.idx.add.f32.msk $0xffff, v4  }
0x17a: {  	s7 =	simm.s32 $0x0;
	s8 =	simm.s32 $0x1C800;
	v6 =	vshll.u32 v10, $0x10;
	v5 =	vand.u32 $0xFFFF0000, v10;
	v4 =	vshll.u32 v9, $0x10;
	[tilespmem:v8+s1+$0x0] =	vst.idx.add.f32.msk $0xffff, v7  }
.LBB2_12:
0x17b: {  	v7 =	vld [tilespmem:s8+$0x10]  }
0x17c: {  	s7 =	sadd.s32 $0x4, s7;
	s5 =	sadd.s32 $0x40, s5;
	v8 =	vld [tilespmem:s8+$0xFFFFFFE0]  }
0x17d: {  	p0 =	slt.u32 s7, $0x78;
	v9 =	vld [tilespmem:s5+$0x10]  }
0x17e: {  	v10 =	vld [tilespmem:s8+$0xFFFFFFF0]  }
0x17f: {  	v11 =	vld [tilespmem:s8+$0x0]  }
0x180: {  	v12 =	vld [tilespmem:s5+$0xFFFFFFF0];
	v7 =	vmul.u32 $0x2800, v7  }
0x181: {  	v8 =	vmul.u32 $0x2800, v8;
	v13 =	vld [tilespmem:s5+$0x0]  }
0x182: {  	v14 =	vld [tilespmem:s5+$0xFFFFFFE0];
	v7 =	vadd.s32 v9, v7  }
0x183: {  	v9 =	vmul.u32 $0x2800, v10;
	[tilespmem:v2+s31+$0x0] =	vst.idx.add.f32.msk $0xffff, v6  }
0x184: {  	v6 =	vmul.u32 $0x2800, v11;
	[tilespmem:v2+s1+$0x0] =	vst.idx.add.f32.msk $0xffff, v5  }
0x185: {  	s6 =	sadd.s32 $0x40, s6;
	v5 =	vadd.s32 v12, v9;
	[tilespmem:v1+s31+$0x0] =	vst.idx.add.f32.msk $0xffff, v4  }
0x186: {  	v4 =	vadd.s32 v13, v6;
	v6 =	vld [tilespmem:s6+$0x10]  }
0x187: {  	v8 =	vadd.s32 v14, v8;
	v7 =	vld.idx.msk [tilespmem:v7+s2+$0x0], $0xffff  }
0x188: {  	v2 =	vld [tilespmem:s6+$0xFFFFFFE0]  }
0x189: {  	v9 =	vld [tilespmem:s6+$0xFFFFFFF0]  }
0x18a: {  	v5 =	vld.idx.msk [tilespmem:v5+s2+$0x0], $0xffff  }
0x18b: {  	v10 =	vld.idx.msk [tilespmem:v4+s2+$0x0], $0xffff  }
0x18c: {  	v8 =	vld.idx.msk [tilespmem:v8+s2+$0x0], $0xffff  }
0x18d: {  	v4 =	vshll.u32 v7, $0x10;
	v11 =	vld [tilespmem:s6+$0x0]  }
.Ltmp5:
0x18e: {  	v7 =	vand.u32 $0xFFFF0000, v7;
	[tilespmem:v6+s31+$0x0] =	vst.idx.add.f32.msk $0xffff, v4;
	(pc) =	sbr.rel @p0 .LBB2_12-.Ltmp5, $4  }
0x18f: {  	[tilespmem:v6+s1+$0x0] =	vst.idx.add.f32.msk $0xffff, v7  }
0x190: {  	v4 =	vshll.u32 v5, $0x10;
	v7 =	vand.u32 $0xFFFF0000, v5;
	[tilespmem:v1+s1+$0x0] =	vst.idx.add.f32.msk $0xffff, v3  }
0x191: {  	v3 =	vand.u32 $0xFFFF0000, v10;
	[tilespmem:v9+s31+$0x0] =	vst.idx.add.f32.msk $0xffff, v4;
	v4 =	vshll.u32 v10, $0x10  }
0x192: {  	s8 =	sadd.s32 $0x40, s8;
	v6 =	vshll.u32 v8, $0x10;
	v5 =	vand.u32 $0xFFFF0000, v8;
	[tilespmem:v9+s1+$0x0] =	vst.idx.add.f32.msk $0xffff, v7;
	v1 =	vmov v11  }
0x193: {  	_ =	sdelay $0x3  }
0x194: {  	[tilespmem:v2+s31+$0x0] =	vst.idx.add.f32.msk $0xffff, v6  }
0x195: {  	[tilespmem:v1+s31+$0x0] =	vst.idx.add.f32.msk $0xffff, v4  }
0x196: {  	[tilespmem:v2+s1+$0x0] =	vst.idx.add.f32.msk $0xffff, v5  }
0x197: {  	[tilespmem:v1+s1+$0x0] =	vst.idx.add.f32.msk $0xffff, v3  }
0x198: {  	v1 =	vld [tilespmem:$0x1CF60];
	_ =	sdelay $0x1  }
0x199: {  	v2 =	vld [tilespmem:$0x1BFC0];
	_ =	sdelay $0x2  }
0x19a: {  	v1 =	vmul.u32 $0x2800, v1;
	_ =	sdelay $0x1  }
0x19b: {  	v1 =	vadd.s32 v2, v1;
	_ =	sdelay $0x2  }
0x19c: {  	v2 =	vld [tilespmem:$0x1C790];
	_ =	sdelay $0x1  }
0x19d: {  	v1 =	vld.idx.msk [tilespmem:v1+s2+$0x0], $0xffff;
	_ =	sdelay $0x4  }
0x19e: {  	v3 =	vshll.u32 v1, $0x10  }
0x19f: {  	v1 =	vand.u32 $0xFFFF0000, v1;
	[tilespmem:v2+s31+$0x0] =	vst.idx.add.f32.msk $0xffff, v3  }
0x1a0: {  	[tilespmem:v2+s1+$0x0] =	vst.idx.add.f32.msk $0xffff, v1  }
0x1a1: {  	[hbm4b:s19+s2] =	stream.linear.scatter [tilespmem:s31], [sflag:$0x3], $0x2800, $0x38;
	[tilespmem:$0x1E6E0] =	vst v63  }
0x1a2: {  	s3 =	sadd.s32 $0x1, s3  }
0x1a3: {  	[hbm4b:s20+s2] =	stream.linear.scatter [tilespmem:s1], [sflag:$0x3], $0x2800, $0x38;
	[tilespmem:$0x1E6E0] =	vst v63  }
0x1a4: {  	p0 =	sne.s32 s3, s21;
	_ =	swait.ge [sflag:s25], $0x2800  }
.Ltmp6:
0x1a5: {  	[sflag:s25] =	ssyncset.done $0x0;
	(pc) =	sbr.rel @p0 .LBB2_1-.Ltmp6, $4  }
0x1a6: {  	[sflag:s25] =	ssyncadd.s32 $0xFFFFD800  }
0x1a7: {  	_ =	swait.ge [sflag:s25], $0x2800  }
0x1a8: {  	[sflag:s25] =	ssyncset.done $0x0  }
0x1a9: {  	[sflag:s25] =	ssyncadd.s32 $0xFFFFD800  }
0x1aa: {  	_ =	sfence.sel $0x180000  }
0x1ab: {  	[bflag:$0x0] =	sbarrier.arrive $0xFFFF  }
0x1ac: {  	_ =	strace $0x90000047  }
0x1ad: {  	s0 =	stileid.u32;
	[bflag:$0x2] =	sbarrier.arrive $0xFFFF  }
0x1ae: {  	p0 =	sne.s32 s0, $0x0;
	s0 =	rddreg [dreg:$0x2]  }
0x1af: {  	s0 =	sadd.s32 @!p0 $0x100000, s0  }
0x1b0: {  	[sflag:s0] =	ssyncadd.tile.s32 @!p0 $0x1;
	_ =	shalt  }
.Lfunc_end2:
_tile_overlayer_lowered:
.L_overlay_start_2:
0x1b1: {  	(tag) =	ssettag $0x2  }
0x1b2: {  	s0 =	rddreg [dreg:$0x0];
	s2 =	stileid.u32  }
0x1b3: {  	s1 =	rddreg [dreg:$0x1];
	p0 =	sne.s32 s2, $0x0  }
0x1b4: {  	s3 =	rddreg [dreg:$0x2];
	[bflag:$0x3] =	sbarrier.arrive $0xFFFF;
	s2 =	simm.s32 @!p0 $0x1C04  }
0x1b5: {  	[timem:s3], [sflag:s2] =	dma.local @!p0 [hbm:s0], s1  }
0x1b6: {  	s0 =	simm.s32 @!p0 $0x4  }
0x1b7: {  	_ =	swait.ge @!p0 [sflag:s0], s1  }
0x1b8: {  	s1 =	ssub.s32 @!p0 $0x0, s1;
	[sflag:s0] =	ssyncset.done @!p0 $0x0  }
0x1b9: {  	[sflag:s0] =	ssyncadd.s32 @!p0 s1  }
0x1ba: {  	[bflag:$0x3] =	sbarrier.arrive $0xFFFF  }
0x1bb: {  	_ =	shalt  }

</sc_bundles>
